<compile_context>
chip_gen: v7x
topology: tpu7x:2x2x1
jax: 0.10.2.dev20260603
libtpu: 0.0.44.dev20260713+nightly
codegen_flags: <defaults>
</compile_context>

<pallas_src>
import functools

import jax
import jax.numpy as jnp
from jax import lax
from jax.experimental import pallas as pl
from jax.experimental.pallas import tpu as pltpu
from jax.experimental.pallas import tpu_sc as plsc

N = 10000
D = 128
E = 160000

NPAD = 10240
CHUNK = 128
NCH = 79
EPT = NCH * CHUNK
NEP = 16 * EPT
RPT = NPAD // 16
ZCH = RPT // CHUNK
LPC = CHUNK // 16


def _sc_aggregate(table, src_all, dst_all):
    mesh = plsc.VectorSubcoreMesh(core_axis_name="c", subcore_axis_name="s")

    @functools.partial(
        pl.kernel,
        mesh=mesh,
        compiler_params=pltpu.CompilerParams(use_tc_tiling_on_sc=False,
                                             needs_layout_passes=False),
        out_type=(jax.ShapeDtypeStruct((2 * NPAD, D), jnp.float32),
                  jax.ShapeDtypeStruct((2, NPAD), jnp.float32)),
        scratch_types=[
            pltpu.VMEM((NCH, CHUNK), jnp.int32),
            pltpu.VMEM((NCH, CHUNK), jnp.int32),
            pltpu.VMEM((CHUNK, D), jnp.float32),
            pltpu.VMEM((NPAD,), jnp.float32),
            pltpu.VMEM_SHARED((NPAD, D), jnp.float32),
            pltpu.HBM((2, 16, NPAD), jnp.float32),
            pltpu.SemaphoreType.DMA,
        ],
    )
    def sc_agg(table_hbm, src_hbm, dst_hbm, out_hbm, deg_hbm, src_v, dst_v,
               rows_v, deg_v, acc_sh, part_hbm, sem):
        cid = lax.axis_index("c")
        sid = lax.axis_index("s")
        widx = cid * 16 + sid
        row0 = sid * RPT

        zeros16 = jnp.zeros((16,), jnp.float32)
        ones16 = jnp.ones((16,), jnp.float32)

        def zero_row(i, carry):
            for c in range(D // 16):
                rows_v[i, pl.ds(c * 16, 16)] = zeros16
            return carry

        lax.fori_loop(0, CHUNK, zero_row, 0)

        def zero_deg(i, carry):
            deg_v[pl.ds(i * 16, 16)] = zeros16
            return carry

        lax.fori_loop(0, NPAD // 16, zero_deg, 0)
        for j in range(ZCH):
            pltpu.sync_copy(rows_v, acc_sh.at[pl.ds(row0 + j * CHUNK, CHUNK)])
        plsc.subcore_barrier()

        pltpu.sync_copy(src_hbm.at[widx], src_v)
        pltpu.sync_copy(dst_hbm.at[widx], dst_v)

        def body(j, carry):
            pltpu.async_copy(table_hbm.at[src_v.at[j]], rows_v, sem).wait()
            pltpu.sync_copy(rows_v, acc_sh.at[dst_v.at[j]], add=True)
            for l in range(LPC):
                dvec = dst_v[j, pl.ds(l * 16, 16)]
                plsc.addupdate_scatter(deg_v, [dvec], ones16)
            return carry

        lax.fori_loop(0, NCH, body, 0)

        pltpu.sync_copy(deg_v, part_hbm.at[cid, sid])
        plsc.subcore_barrier()
        for t in range(16):
            pltpu.sync_copy(part_hbm.at[cid, t, pl.ds(row0, RPT)],
                            deg_v.at[pl.ds(t * RPT, RPT)])
        def red(v, carry):
            acc16 = deg_v[pl.ds(v * 16, 16)]
            for t in range(1, 16):
                acc16 = acc16 + deg_v[pl.ds(t * RPT + v * 16, 16)]
            deg_v[pl.ds(v * 16, 16)] = acc16
            return carry

        lax.fori_loop(0, RPT // 16, red, 0)
        pltpu.sync_copy(deg_v.at[pl.ds(0, RPT)],
                        deg_hbm.at[cid, pl.ds(row0, RPT)])

        out0 = cid * NPAD + row0

        def flush(j, carry):
            pltpu.sync_copy(acc_sh.at[pl.ds(row0 + j * CHUNK, CHUNK)],
                            out_hbm.at[pl.ds(out0 + j * CHUNK, CHUNK)])
            return carry

        lax.fori_loop(0, ZCH, flush, 0)

    return sc_agg(table, src_all, dst_all)


def _tc_combine(acc, d0, d1, x, W_rel0, W_rel1, W_loop, b_loop):
    blk = 512
    off = NPAD // blk

    def body(a0, a1, dr0, dr1, xr, w0, w1, wl, br, o):
        agg0 = a0[...] / jnp.maximum(dr0[...], 1.0)
        agg1 = a1[...] / jnp.maximum(dr1[...], 1.0)
        h = jnp.dot(agg0, w0[...], preferred_element_type=jnp.float32)
        h = h + jnp.dot(agg1, w1[...], preferred_element_type=jnp.float32)
        h = h + lax.dot_general(xr[...], wl[...], (((1,), (1,)), ((), ())),
                                preferred_element_type=jnp.float32)
        o[...] = h + br[...]

    return pl.pallas_call(
        body,
        grid=(pl.cdiv(N, blk),),
        in_specs=[
            pl.BlockSpec((blk, D), lambda i: (i, 0)),
            pl.BlockSpec((blk, D), lambda i: (i + off, 0)),
            pl.BlockSpec((blk, 1), lambda i: (i, 0)),
            pl.BlockSpec((blk, 1), lambda i: (i, 0)),
            pl.BlockSpec((blk, D), lambda i: (i, 0)),
            pl.BlockSpec((D, D), lambda i: (0, 0)),
            pl.BlockSpec((D, D), lambda i: (0, 0)),
            pl.BlockSpec((D, D), lambda i: (0, 0)),
            pl.BlockSpec((1, D), lambda i: (0, 0)),
        ],
        out_specs=pl.BlockSpec((blk, D), lambda i: (i, 0)),
        out_shape=jax.ShapeDtypeStruct((N, D), jnp.float32),
    )(acc, acc, d0, d1, x, W_rel0, W_rel1, W_loop, b_loop.reshape(1, D))


def kernel(x, edge_index_rel0, edge_index_rel1, W_rel0, W_rel1, W_loop,
           b_loop):
    table = x

    def prep(ei):
        src = jnp.concatenate([ei[0], jnp.zeros((NEP - E,), jnp.int32)])
        dst = jnp.concatenate([ei[1], jnp.full((NEP - E,), N, jnp.int32)])
        return src.reshape(16, NCH, CHUNK), dst.reshape(16, NCH, CHUNK)

    s0, d0 = prep(edge_index_rel0)
    s1, d1 = prep(edge_index_rel1)
    src_all = jnp.concatenate([s0, s1]).astype(jnp.int32)
    dst_all = jnp.concatenate([d0, d1]).astype(jnp.int32)

    acc, deg = _sc_aggregate(table, src_all, dst_all)
    dg0 = deg[0, :N].reshape(N, 1)
    dg1 = deg[1, :N].reshape(N, 1)
    return _tc_combine(acc, dg0, dg1, x, W_rel0, W_rel1, W_loop, b_loop)

# --- scband reference (transcript-rebuilt; emitter-appended) ---
"""Pipeline reference for scband-rel-graph-conv-layer-1331439862167 (READ-ONLY COPY).

The authoritative reference and input builder live on the scoring server;
editing this copy changes nothing except your own understanding.
"""

import jax, jax.numpy as jnp
import numpy as np

N_NODES = 10000
N_EDGES = 160000
D_IN = 128
D_OUT = 128


def setup_inputs(seed: int = 0) -> dict:
    key = jax.random.key(seed)
    ks = jax.random.split(key, 8)
    x = jax.random.normal(ks[0], (N_NODES, D_IN), dtype=jnp.float32)
    edge_index_rel0 = jax.random.randint(ks[1], (2, N_EDGES), 0, N_NODES)
    edge_index_rel1 = jax.random.randint(ks[2], (2, N_EDGES), 0, N_NODES)
    scale = 1.0 / np.sqrt(D_IN)
    # per-relation weights: stored as (in_feat, out_feat), matching Linear.weight.T passed to GraphConv
    W_rel0 = jax.random.uniform(ks[3], (D_IN, D_OUT), minval=-scale, maxval=scale, dtype=jnp.float32)
    W_rel1 = jax.random.uniform(ks[4], (D_IN, D_OUT), minval=-scale, maxval=scale, dtype=jnp.float32)
    # self-loop Linear for ntype 'node': weight (out, in), bias (out,)
    W_loop = jax.random.uniform(ks[5], (D_OUT, D_IN), minval=-scale, maxval=scale, dtype=jnp.float32)
    b_loop = jax.random.uniform(ks[6], (D_OUT,), minval=-scale, maxval=scale, dtype=jnp.float32)
    return {
        'x': x,
        'edge_index_rel0': edge_index_rel0,
        'edge_index_rel1': edge_index_rel1,
        'W_rel0': W_rel0,
        'W_rel1': W_rel1,
        'W_loop': W_loop,
        'b_loop': b_loop,
    }


def reference(x, edge_index_rel0, edge_index_rel1, W_rel0, W_rel1, W_loop, b_loop):
    # RelGraphConvLayer with one ntype 'node' and two relations.
    # Each relation is a dgl GraphConv(norm='right', weight=False) with external weight
    # (Linear.weight.T). Since in_feat == out_feat, DGL aggregates first, then applies W.
    N = x.shape[0]
    D = x.shape[1]

    def rel_conv(edge_index, W):
        src = edge_index[0]
        dst = edge_index[1]
        # copy_u + sum aggregation (scatter-add over dst)
        agg = jnp.zeros((N, D), dtype=x.dtype).at[dst].add(x[src])
        # norm='right': divide by in-degree of dst, clamped to min 1
        deg = jnp.zeros((N,), dtype=x.dtype).at[dst].add(1.0)
        deg = jnp.maximum(deg, 1.0)
        agg = agg / deg[:, None]
        return agg @ W

    # HeteroGraphConv default cross-relation aggregation: sum
    h = rel_conv(edge_index_rel0, W_rel0) + rel_conv(edge_index_rel1, W_rel1)
    # self-loop linear on dst nodes (full graph: inputs_dst == inputs)
    h = h + x @ W_loop.T + b_loop
    # activation=None, dropout=0.0 -> identity
    return h

if __name__ == "__main__":
    import jax
    _d = setup_inputs()
    print(jax.jit(kernel)(*tuple(_d.values())))

</pallas_src>

<mosaic_0001>
#map = affine_map<(d0, d1) -> (0, 0)>
#map1 = affine_map<(d0, d1) -> (0, 0, 0)>
module attributes {stable_mosaic.version = 14 : i64} {
  func.func @sc_agg(%arg0: i32, %arg1: i32, %arg2: memref<10000x128xf32, #tpu.memory_space<hbm>>, %arg3: memref<32x79x128xi32, #tpu.memory_space<hbm>>, %arg4: memref<32x79x128xi32, #tpu.memory_space<hbm>>, %arg5: memref<20480x128xf32, #tpu.memory_space<hbm>>, %arg6: memref<2x10240xf32, #tpu.memory_space<hbm>>, %arg7: memref<79x128xi32, #tpu.memory_space<vmem>>, %arg8: memref<79x128xi32, #tpu.memory_space<vmem>>, %arg9: memref<128x128xf32, #tpu.memory_space<vmem>>, %arg10: memref<10240xf32, #tpu.memory_space<vmem>>, %arg11: memref<10240x128xf32, #tpu.memory_space<vmem_shared>>, %arg12: memref<2x16x10240xf32, #tpu.memory_space<hbm>>, %arg13: memref<!tpu.dma_semaphore, #tpu.memory_space<semaphore_mem>>) attributes {dimension_semantics = [#tpu.dimension_semantics<core_parallel>, #tpu.dimension_semantics<subcore_parallel>], iteration_bounds = array<i64: 2, 16>, scalar_prefetch = 0 : i64, scratch_operands = 7 : i64, tpu.core_type = #tpu.core_type<sc_vector_subcore>, window_params = [{transform_indices = #map}, {transform_indices = #map1}, {transform_indices = #map1}, {transform_indices = #map}, {transform_indices = #map}]} {
    %mul3A = arith.constant 16 : i32
    %mul3A_0 = arith.muli %arg0, %mul3A : i32
    %add3A = arith.addi %mul3A_0, %arg1 : i32
    %mul3A_1 = arith.constant 640 : i32
    %mul3A_2 = arith.muli %arg1, %mul3A_1 : i32
    %broadcast_in_dim3A = arith.constant 0.000000e+00 : f32
    %broadcast_in_dim3A_3 = vector.broadcast %broadcast_in_dim3A : f32 to vector<16xf32>
    %broadcast_in_dim3A_4 = arith.constant 1.000000e+00 : f32
    %broadcast_in_dim3A_5 = vector.broadcast %broadcast_in_dim3A_4 : f32 to vector<16xf32>
    %scan3A = arith.constant 0 : i32
    %scan3A_6 = arith.constant 0 : i32
    %scan3A_7 = arith.constant 128 : i32
    %scan3A_8 = arith.addi %scan3A_6, %scan3A_7 : i32
    %scan3A_9 = arith.constant 1 : i32
    scf.for %scan3A_64 = %scan3A_6 to %scan3A_8 step %scan3A_9  : i32 {
      %swap3A = arith.index_cast %scan3A_64 : i32 to index
      %swap3A_65 = arith.constant 0 : index
      %swap3A_66 = tpu.vector_load %arg9[%swap3A, %swap3A_65] {strides = array<i32>} : memref<128x128xf32, #tpu.memory_space<vmem>>, vector<16xf32>,
      tpu.vector_store %arg9[%swap3A, %swap3A_65], %broadcast_in_dim3A_3 {strides = array<i32>} : memref<128x128xf32, #tpu.memory_space<vmem>>, vector<16xf32>,
      %swap3A_67 = arith.index_cast %scan3A_64 : i32 to index
      %swap3A_68 = arith.constant 16 : index
      %swap3A_69 = tpu.vector_load %arg9[%swap3A_67, %swap3A_68] {strides = array<i32>} : memref<128x128xf32, #tpu.memory_space<vmem>>, vector<16xf32>,
      tpu.vector_store %arg9[%swap3A_67, %swap3A_68], %broadcast_in_dim3A_3 {strides = array<i32>} : memref<128x128xf32, #tpu.memory_space<vmem>>, vector<16xf32>,
      %swap3A_70 = arith.index_cast %scan3A_64 : i32 to index
      %swap3A_71 = arith.constant 32 : index
      %swap3A_72 = tpu.vector_load %arg9[%swap3A_70, %swap3A_71] {strides = array<i32>} : memref<128x128xf32, #tpu.memory_space<vmem>>, vector<16xf32>,
      tpu.vector_store %arg9[%swap3A_70, %swap3A_71], %broadcast_in_dim3A_3 {strides = array<i32>} : memref<128x128xf32, #tpu.memory_space<vmem>>, vector<16xf32>,
      %swap3A_73 = arith.index_cast %scan3A_64 : i32 to index
      %swap3A_74 = arith.constant 48 : index
      %swap3A_75 = tpu.vector_load %arg9[%swap3A_73, %swap3A_74] {strides = array<i32>} : memref<128x128xf32, #tpu.memory_space<vmem>>, vector<16xf32>,
      tpu.vector_store %arg9[%swap3A_73, %swap3A_74], %broadcast_in_dim3A_3 {strides = array<i32>} : memref<128x128xf32, #tpu.memory_space<vmem>>, vector<16xf32>,
      %swap3A_76 = arith.index_cast %scan3A_64 : i32 to index
      %swap3A_77 = arith.constant 64 : index
      %swap3A_78 = tpu.vector_load %arg9[%swap3A_76, %swap3A_77] {strides = array<i32>} : memref<128x128xf32, #tpu.memory_space<vmem>>, vector<16xf32>,
      tpu.vector_store %arg9[%swap3A_76, %swap3A_77], %broadcast_in_dim3A_3 {strides = array<i32>} : memref<128x128xf32, #tpu.memory_space<vmem>>, vector<16xf32>,
      %swap3A_79 = arith.index_cast %scan3A_64 : i32 to index
      %swap3A_80 = arith.constant 80 : index
      %swap3A_81 = tpu.vector_load %arg9[%swap3A_79, %swap3A_80] {strides = array<i32>} : memref<128x128xf32, #tpu.memory_space<vmem>>, vector<16xf32>,
      tpu.vector_store %arg9[%swap3A_79, %swap3A_80], %broadcast_in_dim3A_3 {strides = array<i32>} : memref<128x128xf32, #tpu.memory_space<vmem>>, vector<16xf32>,
      %swap3A_82 = arith.index_cast %scan3A_64 : i32 to index
      %swap3A_83 = arith.constant 96 : index
      %swap3A_84 = tpu.vector_load %arg9[%swap3A_82, %swap3A_83] {strides = array<i32>} : memref<128x128xf32, #tpu.memory_space<vmem>>, vector<16xf32>,
      tpu.vector_store %arg9[%swap3A_82, %swap3A_83], %broadcast_in_dim3A_3 {strides = array<i32>} : memref<128x128xf32, #tpu.memory_space<vmem>>, vector<16xf32>,
      %swap3A_85 = arith.index_cast %scan3A_64 : i32 to index
      %swap3A_86 = arith.constant 112 : index
      %swap3A_87 = tpu.vector_load %arg9[%swap3A_85, %swap3A_86] {strides = array<i32>} : memref<128x128xf32, #tpu.memory_space<vmem>>, vector<16xf32>,
      tpu.vector_store %arg9[%swap3A_85, %swap3A_86], %broadcast_in_dim3A_3 {strides = array<i32>} : memref<128x128xf32, #tpu.memory_space<vmem>>, vector<16xf32>,
    }
    %scan3A_10 = arith.constant 128 : i32
    %scan3A_11 = arith.constant 0 : i32
    %scan3A_12 = arith.constant 0 : i32
    %scan3A_13 = arith.constant 640 : i32
    %scan3A_14 = arith.addi %scan3A_12, %scan3A_13 : i32
    %scan3A_15 = arith.constant 1 : i32
    scf.for %scan3A_64 = %scan3A_12 to %scan3A_14 step %scan3A_15  : i32 {
      %mul3A_65 = arith.constant 16 : i32
      %mul3A_66 = arith.muli %scan3A_64, %mul3A_65 : i32
      %swap3A = arith.index_cast %mul3A_66 : i32 to index
      %swap3A_67 = tpu.vector_load %arg10[%swap3A] {strides = array<i32>} : memref<10240xf32, #tpu.memory_space<vmem>>, vector<16xf32>,
      tpu.vector_store %arg10[%swap3A], %broadcast_in_dim3A_3 {strides = array<i32>} : memref<10240xf32, #tpu.memory_space<vmem>>, vector<16xf32>,
    }
    %scan3A_16 = arith.constant 640 : i32
    %add3A_17 = arith.constant 0 : i32
    %add3A_18 = arith.addi %mul3A_2, %add3A_17 : i32
    "tpu.region"() ({
      %run_scoped3A_64 = tpu.sem_alloc : memref<!tpu.dma_semaphore, #tpu.memory_space<semaphore_mem>>
      %dma_start3A = arith.constant 0 : i32
      %dma_start3A_65 = tpu.memref_slice %arg11[%add3A_18, %dma_start3A] : memref<10240x128xf32, #tpu.memory_space<vmem_shared>> -> memref<128x128xf32, #tpu.memory_space<vmem_shared>>
      %dma_start3A_66 = arith.constant 0 : i32
      %dma_start3A_67 = tpu.memref_slice %arg11[%add3A_18, %dma_start3A_66] : memref<10240x128xf32, #tpu.memory_space<vmem_shared>> -> memref<128x128xf32, #tpu.memory_space<vmem_shared>>
      tpu.enqueue_dma source(%arg9 : memref<128x128xf32, #tpu.memory_space<vmem>>) target(%dma_start3A_67 : memref<128x128xf32, #tpu.memory_space<vmem_shared>>) target_semaphore(%run_scoped3A_64 : memref<!tpu.dma_semaphore, #tpu.memory_space<semaphore_mem>>)
      %dma_wait3A = arith.constant 0 : i32
      %dma_wait3A_68 = tpu.memref_slice %arg11[%add3A_18, %dma_wait3A] : memref<10240x128xf32, #tpu.memory_space<vmem_shared>> -> memref<128x128xf32, #tpu.memory_space<vmem_shared>>
      %dma_wait3A_69 = arith.constant 0 : i32
      %dma_wait3A_70 = tpu.memref_slice %arg11[%add3A_18, %dma_wait3A_69] : memref<10240x128xf32, #tpu.memory_space<vmem_shared>> -> memref<128x128xf32, #tpu.memory_space<vmem_shared>>
      tpu.wait_dma2 semaphore(%run_scoped3A_64 : memref<!tpu.dma_semaphore, #tpu.memory_space<semaphore_mem>>) src(%arg9 : memref<128x128xf32, #tpu.memory_space<vmem>>) dst(%dma_wait3A_70 : memref<128x128xf32, #tpu.memory_space<vmem_shared>>)
      tpu.yield
    }) : () -> ()
    %add3A_19 = arith.constant 128 : i32
    %add3A_20 = arith.addi %mul3A_2, %add3A_19 : i32
    "tpu.region"() ({
      %run_scoped3A_64 = tpu.sem_alloc : memref<!tpu.dma_semaphore, #tpu.memory_space<semaphore_mem>>
      %dma_start3A = arith.constant 0 : i32
      %dma_start3A_65 = tpu.memref_slice %arg11[%add3A_20, %dma_start3A] : memref<10240x128xf32, #tpu.memory_space<vmem_shared>> -> memref<128x128xf32, #tpu.memory_space<vmem_shared>>
      %dma_start3A_66 = arith.constant 0 : i32
      %dma_start3A_67 = tpu.memref_slice %arg11[%add3A_20, %dma_start3A_66] : memref<10240x128xf32, #tpu.memory_space<vmem_shared>> -> memref<128x128xf32, #tpu.memory_space<vmem_shared>>
      tpu.enqueue_dma source(%arg9 : memref<128x128xf32, #tpu.memory_space<vmem>>) target(%dma_start3A_67 : memref<128x128xf32, #tpu.memory_space<vmem_shared>>) target_semaphore(%run_scoped3A_64 : memref<!tpu.dma_semaphore, #tpu.memory_space<semaphore_mem>>)
      %dma_wait3A = arith.constant 0 : i32
      %dma_wait3A_68 = tpu.memref_slice %arg11[%add3A_20, %dma_wait3A] : memref<10240x128xf32, #tpu.memory_space<vmem_shared>> -> memref<128x128xf32, #tpu.memory_space<vmem_shared>>
      %dma_wait3A_69 = arith.constant 0 : i32
      %dma_wait3A_70 = tpu.memref_slice %arg11[%add3A_20, %dma_wait3A_69] : memref<10240x128xf32, #tpu.memory_space<vmem_shared>> -> memref<128x128xf32, #tpu.memory_space<vmem_shared>>
      tpu.wait_dma2 semaphore(%run_scoped3A_64 : memref<!tpu.dma_semaphore, #tpu.memory_space<semaphore_mem>>) src(%arg9 : memref<128x128xf32, #tpu.memory_space<vmem>>) dst(%dma_wait3A_70 : memref<128x128xf32, #tpu.memory_space<vmem_shared>>)
      tpu.yield
    }) : () -> ()
    %add3A_21 = arith.constant 256 : i32
    %add3A_22 = arith.addi %mul3A_2, %add3A_21 : i32
    "tpu.region"() ({
      %run_scoped3A_64 = tpu.sem_alloc : memref<!tpu.dma_semaphore, #tpu.memory_space<semaphore_mem>>
      %dma_start3A = arith.constant 0 : i32
      %dma_start3A_65 = tpu.memref_slice %arg11[%add3A_22, %dma_start3A] : memref<10240x128xf32, #tpu.memory_space<vmem_shared>> -> memref<128x128xf32, #tpu.memory_space<vmem_shared>>
      %dma_start3A_66 = arith.constant 0 : i32
      %dma_start3A_67 = tpu.memref_slice %arg11[%add3A_22, %dma_start3A_66] : memref<10240x128xf32, #tpu.memory_space<vmem_shared>> -> memref<128x128xf32, #tpu.memory_space<vmem_shared>>
      tpu.enqueue_dma source(%arg9 : memref<128x128xf32, #tpu.memory_space<vmem>>) target(%dma_start3A_67 : memref<128x128xf32, #tpu.memory_space<vmem_shared>>) target_semaphore(%run_scoped3A_64 : memref<!tpu.dma_semaphore, #tpu.memory_space<semaphore_mem>>)
      %dma_wait3A = arith.constant 0 : i32
      %dma_wait3A_68 = tpu.memref_slice %arg11[%add3A_22, %dma_wait3A] : memref<10240x128xf32, #tpu.memory_space<vmem_shared>> -> memref<128x128xf32, #tpu.memory_space<vmem_shared>>
      %dma_wait3A_69 = arith.constant 0 : i32
      %dma_wait3A_70 = tpu.memref_slice %arg11[%add3A_22, %dma_wait3A_69] : memref<10240x128xf32, #tpu.memory_space<vmem_shared>> -> memref<128x128xf32, #tpu.memory_space<vmem_shared>>
      tpu.wait_dma2 semaphore(%run_scoped3A_64 : memref<!tpu.dma_semaphore, #tpu.memory_space<semaphore_mem>>) src(%arg9 : memref<128x128xf32, #tpu.memory_space<vmem>>) dst(%dma_wait3A_70 : memref<128x128xf32, #tpu.memory_space<vmem_shared>>)
      tpu.yield
    }) : () -> ()
    %add3A_23 = arith.constant 384 : i32
    %add3A_24 = arith.addi %mul3A_2, %add3A_23 : i32
    "tpu.region"() ({
      %run_scoped3A_64 = tpu.sem_alloc : memref<!tpu.dma_semaphore, #tpu.memory_space<semaphore_mem>>
      %dma_start3A = arith.constant 0 : i32
      %dma_start3A_65 = tpu.memref_slice %arg11[%add3A_24, %dma_start3A] : memref<10240x128xf32, #tpu.memory_space<vmem_shared>> -> memref<128x128xf32, #tpu.memory_space<vmem_shared>>
      %dma_start3A_66 = arith.constant 0 : i32
      %dma_start3A_67 = tpu.memref_slice %arg11[%add3A_24, %dma_start3A_66] : memref<10240x128xf32, #tpu.memory_space<vmem_shared>> -> memref<128x128xf32, #tpu.memory_space<vmem_shared>>
      tpu.enqueue_dma source(%arg9 : memref<128x128xf32, #tpu.memory_space<vmem>>) target(%dma_start3A_67 : memref<128x128xf32, #tpu.memory_space<vmem_shared>>) target_semaphore(%run_scoped3A_64 : memref<!tpu.dma_semaphore, #tpu.memory_space<semaphore_mem>>)
      %dma_wait3A = arith.constant 0 : i32
      %dma_wait3A_68 = tpu.memref_slice %arg11[%add3A_24, %dma_wait3A] : memref<10240x128xf32, #tpu.memory_space<vmem_shared>> -> memref<128x128xf32, #tpu.memory_space<vmem_shared>>
      %dma_wait3A_69 = arith.constant 0 : i32
      %dma_wait3A_70 = tpu.memref_slice %arg11[%add3A_24, %dma_wait3A_69] : memref<10240x128xf32, #tpu.memory_space<vmem_shared>> -> memref<128x128xf32, #tpu.memory_space<vmem_shared>>
      tpu.wait_dma2 semaphore(%run_scoped3A_64 : memref<!tpu.dma_semaphore, #tpu.memory_space<semaphore_mem>>) src(%arg9 : memref<128x128xf32, #tpu.memory_space<vmem>>) dst(%dma_wait3A_70 : memref<128x128xf32, #tpu.memory_space<vmem_shared>>)
      tpu.yield
    }) : () -> ()
    %add3A_25 = arith.constant 512 : i32
    %add3A_26 = arith.addi %mul3A_2, %add3A_25 : i32
    "tpu.region"() ({
      %run_scoped3A_64 = tpu.sem_alloc : memref<!tpu.dma_semaphore, #tpu.memory_space<semaphore_mem>>
      %dma_start3A = arith.constant 0 : i32
      %dma_start3A_65 = tpu.memref_slice %arg11[%add3A_26, %dma_start3A] : memref<10240x128xf32, #tpu.memory_space<vmem_shared>> -> memref<128x128xf32, #tpu.memory_space<vmem_shared>>
      %dma_start3A_66 = arith.constant 0 : i32
      %dma_start3A_67 = tpu.memref_slice %arg11[%add3A_26, %dma_start3A_66] : memref<10240x128xf32, #tpu.memory_space<vmem_shared>> -> memref<128x128xf32, #tpu.memory_space<vmem_shared>>
      tpu.enqueue_dma source(%arg9 : memref<128x128xf32, #tpu.memory_space<vmem>>) target(%dma_start3A_67 : memref<128x128xf32, #tpu.memory_space<vmem_shared>>) target_semaphore(%run_scoped3A_64 : memref<!tpu.dma_semaphore, #tpu.memory_space<semaphore_mem>>)
      %dma_wait3A = arith.constant 0 : i32
      %dma_wait3A_68 = tpu.memref_slice %arg11[%add3A_26, %dma_wait3A] : memref<10240x128xf32, #tpu.memory_space<vmem_shared>> -> memref<128x128xf32, #tpu.memory_space<vmem_shared>>
      %dma_wait3A_69 = arith.constant 0 : i32
      %dma_wait3A_70 = tpu.memref_slice %arg11[%add3A_26, %dma_wait3A_69] : memref<10240x128xf32, #tpu.memory_space<vmem_shared>> -> memref<128x128xf32, #tpu.memory_space<vmem_shared>>
      tpu.wait_dma2 semaphore(%run_scoped3A_64 : memref<!tpu.dma_semaphore, #tpu.memory_space<semaphore_mem>>) src(%arg9 : memref<128x128xf32, #tpu.memory_space<vmem>>) dst(%dma_wait3A_70 : memref<128x128xf32, #tpu.memory_space<vmem_shared>>)
      tpu.yield
    }) : () -> ()
    %barrier3A = arith.constant 0 : index
    tpu.barrier barrier_id(%barrier3A)
    "tpu.region"() ({
      %run_scoped3A_64 = tpu.sem_alloc : memref<!tpu.dma_semaphore, #tpu.memory_space<semaphore_mem>>
      %dma_start3A = arith.constant 0 : i32
      %dma_start3A_65 = arith.constant 0 : i32
      %dma_start3A_66 = tpu.memref_slice %arg3[%add3A, %dma_start3A, %dma_start3A_65] : memref<32x79x128xi32, #tpu.memory_space<hbm>> -> memref<1x79x128xi32, #tpu.memory_space<hbm>>
      %dma_start3A_67 = tpu.memref_squeeze %dma_start3A_66 : memref<1x79x128xi32, #tpu.memory_space<hbm>> -> memref<79x128xi32, #tpu.memory_space<hbm>>
      %dma_start3A_68 = arith.constant 0 : i32
      %dma_start3A_69 = arith.constant 0 : i32
      %dma_start3A_70 = tpu.memref_slice %arg3[%add3A, %dma_start3A_68, %dma_start3A_69] : memref<32x79x128xi32, #tpu.memory_space<hbm>> -> memref<1x79x128xi32, #tpu.memory_space<hbm>>
      %dma_start3A_71 = tpu.memref_squeeze %dma_start3A_70 : memref<1x79x128xi32, #tpu.memory_space<hbm>> -> memref<79x128xi32, #tpu.memory_space<hbm>>
      tpu.enqueue_dma source(%dma_start3A_71 : memref<79x128xi32, #tpu.memory_space<hbm>>) target(%arg7 : memref<79x128xi32, #tpu.memory_space<vmem>>) target_semaphore(%run_scoped3A_64 : memref<!tpu.dma_semaphore, #tpu.memory_space<semaphore_mem>>)
      %dma_wait3A = arith.constant 0 : i32
      %dma_wait3A_72 = arith.constant 0 : i32
      %dma_wait3A_73 = tpu.memref_slice %arg3[%add3A, %dma_wait3A, %dma_wait3A_72] : memref<32x79x128xi32, #tpu.memory_space<hbm>> -> memref<1x79x128xi32, #tpu.memory_space<hbm>>
      %dma_wait3A_74 = tpu.memref_squeeze %dma_wait3A_73 : memref<1x79x128xi32, #tpu.memory_space<hbm>> -> memref<79x128xi32, #tpu.memory_space<hbm>>
      %dma_wait3A_75 = arith.constant 0 : i32
      %dma_wait3A_76 = arith.constant 0 : i32
      %dma_wait3A_77 = tpu.memref_slice %arg3[%add3A, %dma_wait3A_75, %dma_wait3A_76] : memref<32x79x128xi32, #tpu.memory_space<hbm>> -> memref<1x79x128xi32, #tpu.memory_space<hbm>>
      %dma_wait3A_78 = tpu.memref_squeeze %dma_wait3A_77 : memref<1x79x128xi32, #tpu.memory_space<hbm>> -> memref<79x128xi32, #tpu.memory_space<hbm>>
      tpu.wait_dma2 semaphore(%run_scoped3A_64 : memref<!tpu.dma_semaphore, #tpu.memory_space<semaphore_mem>>) src(%dma_wait3A_78 : memref<79x128xi32, #tpu.memory_space<hbm>>) dst(%arg7 : memref<79x128xi32, #tpu.memory_space<vmem>>)
      tpu.yield
    }) : () -> ()
    "tpu.region"() ({
      %run_scoped3A_64 = tpu.sem_alloc : memref<!tpu.dma_semaphore, #tpu.memory_space<semaphore_mem>>
      %dma_start3A = arith.constant 0 : i32
      %dma_start3A_65 = arith.constant 0 : i32
      %dma_start3A_66 = tpu.memref_slice %arg4[%add3A, %dma_start3A, %dma_start3A_65] : memref<32x79x128xi32, #tpu.memory_space<hbm>> -> memref<1x79x128xi32, #tpu.memory_space<hbm>>
      %dma_start3A_67 = tpu.memref_squeeze %dma_start3A_66 : memref<1x79x128xi32, #tpu.memory_space<hbm>> -> memref<79x128xi32, #tpu.memory_space<hbm>>
      %dma_start3A_68 = arith.constant 0 : i32
      %dma_start3A_69 = arith.constant 0 : i32
      %dma_start3A_70 = tpu.memref_slice %arg4[%add3A, %dma_start3A_68, %dma_start3A_69] : memref<32x79x128xi32, #tpu.memory_space<hbm>> -> memref<1x79x128xi32, #tpu.memory_space<hbm>>
      %dma_start3A_71 = tpu.memref_squeeze %dma_start3A_70 : memref<1x79x128xi32, #tpu.memory_space<hbm>> -> memref<79x128xi32, #tpu.memory_space<hbm>>
      tpu.enqueue_dma source(%dma_start3A_71 : memref<79x128xi32, #tpu.memory_space<hbm>>) target(%arg8 : memref<79x128xi32, #tpu.memory_space<vmem>>) target_semaphore(%run_scoped3A_64 : memref<!tpu.dma_semaphore, #tpu.memory_space<semaphore_mem>>)
      %dma_wait3A = arith.constant 0 : i32
      %dma_wait3A_72 = arith.constant 0 : i32
      %dma_wait3A_73 = tpu.memref_slice %arg4[%add3A, %dma_wait3A, %dma_wait3A_72] : memref<32x79x128xi32, #tpu.memory_space<hbm>> -> memref<1x79x128xi32, #tpu.memory_space<hbm>>
      %dma_wait3A_74 = tpu.memref_squeeze %dma_wait3A_73 : memref<1x79x128xi32, #tpu.memory_space<hbm>> -> memref<79x128xi32, #tpu.memory_space<hbm>>
      %dma_wait3A_75 = arith.constant 0 : i32
      %dma_wait3A_76 = arith.constant 0 : i32
      %dma_wait3A_77 = tpu.memref_slice %arg4[%add3A, %dma_wait3A_75, %dma_wait3A_76] : memref<32x79x128xi32, #tpu.memory_space<hbm>> -> memref<1x79x128xi32, #tpu.memory_space<hbm>>
      %dma_wait3A_78 = tpu.memref_squeeze %dma_wait3A_77 : memref<1x79x128xi32, #tpu.memory_space<hbm>> -> memref<79x128xi32, #tpu.memory_space<hbm>>
      tpu.wait_dma2 semaphore(%run_scoped3A_64 : memref<!tpu.dma_semaphore, #tpu.memory_space<semaphore_mem>>) src(%dma_wait3A_78 : memref<79x128xi32, #tpu.memory_space<hbm>>) dst(%arg8 : memref<79x128xi32, #tpu.memory_space<vmem>>)
      tpu.yield
    }) : () -> ()
    %scan3A_27 = arith.constant 0 : i32
    %scan3A_28 = arith.constant 0 : i32
    %scan3A_29 = arith.constant 79 : i32
    %scan3A_30 = arith.addi %scan3A_28, %scan3A_29 : i32
    %scan3A_31 = arith.constant 1 : i32
    scf.for %scan3A_64 = %scan3A_28 to %scan3A_30 step %scan3A_31  : i32 {
      %dma_start3A = arith.constant 0 : i32
      %dma_start3A_65 = tpu.memref_slice %arg7[%scan3A_64, %dma_start3A] : memref<79x128xi32, #tpu.memory_space<vmem>> -> memref<1x128xi32, #tpu.memory_space<vmem>>
      %dma_start3A_66 = tpu.memref_squeeze %dma_start3A_65 : memref<1x128xi32, #tpu.memory_space<vmem>> -> memref<128xi32, #tpu.memory_space<vmem>>
      %dma_start3A_67 = arith.constant 0 : i32
      %dma_start3A_68 = arith.constant 0 : i32
      %dma_start3A_69 = tpu.memref_slice %arg2[%dma_start3A_67, %dma_start3A_68] : memref<10000x128xf32, #tpu.memory_space<hbm>> -> memref<10000x128xf32, #tpu.memory_space<hbm>>
      tpu.enqueue_indirect_dma source(%dma_start3A_69 : memref<10000x128xf32, #tpu.memory_space<hbm>>) target(%arg9 : memref<128x128xf32, #tpu.memory_space<vmem>>) offsets(%dma_start3A_66 : memref<128xi32, #tpu.memory_space<vmem>>) semaphore(%arg13 : memref<!tpu.dma_semaphore, #tpu.memory_space<semaphore_mem>>)
      %dma_wait3A = arith.constant 0 : i32
      %dma_wait3A_70 = tpu.memref_slice %arg7[%scan3A_64, %dma_wait3A] : memref<79x128xi32, #tpu.memory_space<vmem>> -> memref<1x128xi32, #tpu.memory_space<vmem>>
      %dma_wait3A_71 = tpu.memref_squeeze %dma_wait3A_70 : memref<1x128xi32, #tpu.memory_space<vmem>> -> memref<128xi32, #tpu.memory_space<vmem>>
      %dma_wait3A_72 = arith.constant 0 : i32
      %dma_wait3A_73 = arith.constant 0 : i32
      %dma_wait3A_74 = tpu.memref_slice %arg2[%dma_wait3A_72, %dma_wait3A_73] : memref<10000x128xf32, #tpu.memory_space<hbm>> -> memref<10000x128xf32, #tpu.memory_space<hbm>>
      tpu.wait_indirect_dma semaphore(%arg13 : memref<!tpu.dma_semaphore, #tpu.memory_space<semaphore_mem>>) src(%dma_wait3A_74 : memref<10000x128xf32, #tpu.memory_space<hbm>>) dst(%arg9 : memref<128x128xf32, #tpu.memory_space<vmem>>)
      "tpu.region"() ({
        %run_scoped3A_98 = tpu.sem_alloc : memref<!tpu.dma_semaphore, #tpu.memory_space<semaphore_mem>>
        %dma_start3A_99 = arith.constant 0 : i32
        %dma_start3A_100 = tpu.memref_slice %arg8[%scan3A_64, %dma_start3A_99] : memref<79x128xi32, #tpu.memory_space<vmem>> -> memref<1x128xi32, #tpu.memory_space<vmem>>
        %dma_start3A_101 = tpu.memref_squeeze %dma_start3A_100 : memref<1x128xi32, #tpu.memory_space<vmem>> -> memref<128xi32, #tpu.memory_space<vmem>>
        %dma_start3A_102 = arith.constant 0 : i32
        %dma_start3A_103 = arith.constant 0 : i32
        %dma_start3A_104 = tpu.memref_slice %arg11[%dma_start3A_102, %dma_start3A_103] : memref<10240x128xf32, #tpu.memory_space<vmem_shared>> -> memref<10240x128xf32, #tpu.memory_space<vmem_shared>>
        tpu.enqueue_indirect_dma source(%arg9 : memref<128x128xf32, #tpu.memory_space<vmem>>) target(%dma_start3A_104 : memref<10240x128xf32, #tpu.memory_space<vmem_shared>>) offsets(%dma_start3A_101 : memref<128xi32, #tpu.memory_space<vmem>>) semaphore(%run_scoped3A_98 : memref<!tpu.dma_semaphore, #tpu.memory_space<semaphore_mem>>) {add = true}
        %dma_wait3A_105 = arith.constant 0 : i32
        %dma_wait3A_106 = tpu.memref_slice %arg8[%scan3A_64, %dma_wait3A_105] : memref<79x128xi32, #tpu.memory_space<vmem>> -> memref<1x128xi32, #tpu.memory_space<vmem>>
        %dma_wait3A_107 = tpu.memref_squeeze %dma_wait3A_106 : memref<1x128xi32, #tpu.memory_space<vmem>> -> memref<128xi32, #tpu.memory_space<vmem>>
        %dma_wait3A_108 = arith.constant 0 : i32
        %dma_wait3A_109 = arith.constant 0 : i32
        %dma_wait3A_110 = tpu.memref_slice %arg11[%dma_wait3A_108, %dma_wait3A_109] : memref<10240x128xf32, #tpu.memory_space<vmem_shared>> -> memref<10240x128xf32, #tpu.memory_space<vmem_shared>>
        tpu.wait_indirect_dma semaphore(%run_scoped3A_98 : memref<!tpu.dma_semaphore, #tpu.memory_space<semaphore_mem>>) src(%arg9 : memref<128x128xf32, #tpu.memory_space<vmem>>) dst(%dma_wait3A_110 : memref<10240x128xf32, #tpu.memory_space<vmem_shared>>)
        tpu.yield
      }) : () -> ()
      %get3A = arith.index_cast %scan3A_64 : i32 to index
      %get3A_75 = arith.constant 0 : index
      %get3A_76 = tpu.vector_load %arg8[%get3A, %get3A_75] {strides = array<i32>} : memref<79x128xi32, #tpu.memory_space<vmem>>, vector<16xi32>,
      tpu.vector_store_idx %arg10[%get3A_76], %broadcast_in_dim3A_5 {add = true} : memref<10240xf32, #tpu.memory_space<vmem>>[vector<16xi32>], vector<16xf32>,
      %get3A_77 = arith.index_cast %scan3A_64 : i32 to index
      %get3A_78 = arith.constant 16 : index
      %get3A_79 = tpu.vector_load %arg8[%get3A_77, %get3A_78] {strides = array<i32>} : memref<79x128xi32, #tpu.memory_space<vmem>>, vector<16xi32>,
      tpu.vector_store_idx %arg10[%get3A_79], %broadcast_in_dim3A_5 {add = true} : memref<10240xf32, #tpu.memory_space<vmem>>[vector<16xi32>], vector<16xf32>,
      %get3A_80 = arith.index_cast %scan3A_64 : i32 to index
      %get3A_81 = arith.constant 32 : index
      %get3A_82 = tpu.vector_load %arg8[%get3A_80, %get3A_81] {strides = array<i32>} : memref<79x128xi32, #tpu.memory_space<vmem>>, vector<16xi32>,
      tpu.vector_store_idx %arg10[%get3A_82], %broadcast_in_dim3A_5 {add = true} : memref<10240xf32, #tpu.memory_space<vmem>>[vector<16xi32>], vector<16xf32>,
      %get3A_83 = arith.index_cast %scan3A_64 : i32 to index
      %get3A_84 = arith.constant 48 : index
      %get3A_85 = tpu.vector_load %arg8[%get3A_83, %get3A_84] {strides = array<i32>} : memref<79x128xi32, #tpu.memory_space<vmem>>, vector<16xi32>,
      tpu.vector_store_idx %arg10[%get3A_85], %broadcast_in_dim3A_5 {add = true} : memref<10240xf32, #tpu.memory_space<vmem>>[vector<16xi32>], vector<16xf32>,
      %get3A_86 = arith.index_cast %scan3A_64 : i32 to index
      %get3A_87 = arith.constant 64 : index
      %get3A_88 = tpu.vector_load %arg8[%get3A_86, %get3A_87] {strides = array<i32>} : memref<79x128xi32, #tpu.memory_space<vmem>>, vector<16xi32>,
      tpu.vector_store_idx %arg10[%get3A_88], %broadcast_in_dim3A_5 {add = true} : memref<10240xf32, #tpu.memory_space<vmem>>[vector<16xi32>], vector<16xf32>,
      %get3A_89 = arith.index_cast %scan3A_64 : i32 to index
      %get3A_90 = arith.constant 80 : index
      %get3A_91 = tpu.vector_load %arg8[%get3A_89, %get3A_90] {strides = array<i32>} : memref<79x128xi32, #tpu.memory_space<vmem>>, vector<16xi32>,
      tpu.vector_store_idx %arg10[%get3A_91], %broadcast_in_dim3A_5 {add = true} : memref<10240xf32, #tpu.memory_space<vmem>>[vector<16xi32>], vector<16xf32>,
      %get3A_92 = arith.index_cast %scan3A_64 : i32 to index
      %get3A_93 = arith.constant 96 : index
      %get3A_94 = tpu.vector_load %arg8[%get3A_92, %get3A_93] {strides = array<i32>} : memref<79x128xi32, #tpu.memory_space<vmem>>, vector<16xi32>,
      tpu.vector_store_idx %arg10[%get3A_94], %broadcast_in_dim3A_5 {add = true} : memref<10240xf32, #tpu.memory_space<vmem>>[vector<16xi32>], vector<16xf32>,
      %get3A_95 = arith.index_cast %scan3A_64 : i32 to index
      %get3A_96 = arith.constant 112 : index
      %get3A_97 = tpu.vector_load %arg8[%get3A_95, %get3A_96] {strides = array<i32>} : memref<79x128xi32, #tpu.memory_space<vmem>>, vector<16xi32>,
      tpu.vector_store_idx %arg10[%get3A_97], %broadcast_in_dim3A_5 {add = true} : memref<10240xf32, #tpu.memory_space<vmem>>[vector<16xi32>], vector<16xf32>,
    }
    %scan3A_32 = arith.constant 79 : i32
    "tpu.region"() ({
      %run_scoped3A_64 = tpu.sem_alloc : memref<!tpu.dma_semaphore, #tpu.memory_space<semaphore_mem>>
      %dma_start3A = arith.constant 0 : i32
      %dma_start3A_65 = tpu.memref_slice %arg12[%arg0, %arg1, %dma_start3A] : memref<2x16x10240xf32, #tpu.memory_space<hbm>> -> memref<1x1x10240xf32, #tpu.memory_space<hbm>>
      %dma_start3A_66 = tpu.memref_squeeze %dma_start3A_65 : memref<1x1x10240xf32, #tpu.memory_space<hbm>> -> memref<10240xf32, #tpu.memory_space<hbm>>
      %dma_start3A_67 = arith.constant 0 : i32
      %dma_start3A_68 = tpu.memref_slice %arg12[%arg0, %arg1, %dma_start3A_67] : memref<2x16x10240xf32, #tpu.memory_space<hbm>> -> memref<1x1x10240xf32, #tpu.memory_space<hbm>>
      %dma_start3A_69 = tpu.memref_squeeze %dma_start3A_68 : memref<1x1x10240xf32, #tpu.memory_space<hbm>> -> memref<10240xf32, #tpu.memory_space<hbm>>
      tpu.enqueue_dma source(%arg10 : memref<10240xf32, #tpu.memory_space<vmem>>) target(%dma_start3A_69 : memref<10240xf32, #tpu.memory_space<hbm>>) target_semaphore(%run_scoped3A_64 : memref<!tpu.dma_semaphore, #tpu.memory_space<semaphore_mem>>)
      %dma_wait3A = arith.constant 0 : i32
      %dma_wait3A_70 = tpu.memref_slice %arg12[%arg0, %arg1, %dma_wait3A] : memref<2x16x10240xf32, #tpu.memory_space<hbm>> -> memref<1x1x10240xf32, #tpu.memory_space<hbm>>
      %dma_wait3A_71 = tpu.memref_squeeze %dma_wait3A_70 : memref<1x1x10240xf32, #tpu.memory_space<hbm>> -> memref<10240xf32, #tpu.memory_space<hbm>>
      %dma_wait3A_72 = arith.constant 0 : i32
      %dma_wait3A_73 = tpu.memref_slice %arg12[%arg0, %arg1, %dma_wait3A_72] : memref<2x16x10240xf32, #tpu.memory_space<hbm>> -> memref<1x1x10240xf32, #tpu.memory_space<hbm>>
      %dma_wait3A_74 = tpu.memref_squeeze %dma_wait3A_73 : memref<1x1x10240xf32, #tpu.memory_space<hbm>> -> memref<10240xf32, #tpu.memory_space<hbm>>
      tpu.wait_dma2 semaphore(%run_scoped3A_64 : memref<!tpu.dma_semaphore, #tpu.memory_space<semaphore_mem>>) src(%arg10 : memref<10240xf32, #tpu.memory_space<vmem>>) dst(%dma_wait3A_74 : memref<10240xf32, #tpu.memory_space<hbm>>)
      tpu.yield
    }) : () -> ()
    %barrier3A_33 = arith.constant 0 : index
    tpu.barrier barrier_id(%barrier3A_33)
    %run_scoped3A = arith.constant 0 : i32
    "tpu.region"() ({
      %run_scoped3A_64 = tpu.sem_alloc : memref<!tpu.dma_semaphore, #tpu.memory_space<semaphore_mem>>
      %dma_start3A = arith.constant 0 : i32
      %dma_start3A_65 = tpu.memref_slice %arg10[%dma_start3A] : memref<10240xf32, #tpu.memory_space<vmem>> -> memref<640xf32, #tpu.memory_space<vmem>>
      %dma_start3A_66 = tpu.memref_slice %arg12[%arg0, %run_scoped3A, %mul3A_2] : memref<2x16x10240xf32, #tpu.memory_space<hbm>> -> memref<1x1x640xf32, #tpu.memory_space<hbm>>
      %dma_start3A_67 = tpu.memref_squeeze %dma_start3A_66 : memref<1x1x640xf32, #tpu.memory_space<hbm>> -> memref<640xf32, #tpu.memory_space<hbm>>
      %dma_start3A_68 = arith.constant 0 : i32
      %dma_start3A_69 = tpu.memref_slice %arg10[%dma_start3A_68] : memref<10240xf32, #tpu.memory_space<vmem>> -> memref<640xf32, #tpu.memory_space<vmem>>
      %dma_start3A_70 = tpu.memref_slice %arg12[%arg0, %run_scoped3A, %mul3A_2] : memref<2x16x10240xf32, #tpu.memory_space<hbm>> -> memref<1x1x640xf32, #tpu.memory_space<hbm>>
      %dma_start3A_71 = tpu.memref_squeeze %dma_start3A_70 : memref<1x1x640xf32, #tpu.memory_space<hbm>> -> memref<640xf32, #tpu.memory_space<hbm>>
      tpu.enqueue_dma source(%dma_start3A_71 : memref<640xf32, #tpu.memory_space<hbm>>) target(%dma_start3A_69 : memref<640xf32, #tpu.memory_space<vmem>>) target_semaphore(%run_scoped3A_64 : memref<!tpu.dma_semaphore, #tpu.memory_space<semaphore_mem>>)
      %dma_wait3A = arith.constant 0 : i32
      %dma_wait3A_72 = tpu.memref_slice %arg10[%dma_wait3A] : memref<10240xf32, #tpu.memory_space<vmem>> -> memref<640xf32, #tpu.memory_space<vmem>>
      %dma_wait3A_73 = tpu.memref_slice %arg12[%arg0, %run_scoped3A, %mul3A_2] : memref<2x16x10240xf32, #tpu.memory_space<hbm>> -> memref<1x1x640xf32, #tpu.memory_space<hbm>>
      %dma_wait3A_74 = tpu.memref_squeeze %dma_wait3A_73 : memref<1x1x640xf32, #tpu.memory_space<hbm>> -> memref<640xf32, #tpu.memory_space<hbm>>
      %dma_wait3A_75 = arith.constant 0 : i32
      %dma_wait3A_76 = tpu.memref_slice %arg10[%dma_wait3A_75] : memref<10240xf32, #tpu.memory_space<vmem>> -> memref<640xf32, #tpu.memory_space<vmem>>
      %dma_wait3A_77 = tpu.memref_slice %arg12[%arg0, %run_scoped3A, %mul3A_2] : memref<2x16x10240xf32, #tpu.memory_space<hbm>> -> memref<1x1x640xf32, #tpu.memory_space<hbm>>
      %dma_wait3A_78 = tpu.memref_squeeze %dma_wait3A_77 : memref<1x1x640xf32, #tpu.memory_space<hbm>> -> memref<640xf32, #tpu.memory_space<hbm>>
      tpu.wait_dma2 semaphore(%run_scoped3A_64 : memref<!tpu.dma_semaphore, #tpu.memory_space<semaphore_mem>>) src(%dma_wait3A_78 : memref<640xf32, #tpu.memory_space<hbm>>) dst(%dma_wait3A_76 : memref<640xf32, #tpu.memory_space<vmem>>)
      tpu.yield
    }) : () -> ()
    %run_scoped3A_34 = arith.constant 1 : i32
    "tpu.region"() ({
      %run_scoped3A_64 = tpu.sem_alloc : memref<!tpu.dma_semaphore, #tpu.memory_space<semaphore_mem>>
      %dma_start3A = arith.constant 640 : i32
      %dma_start3A_65 = tpu.memref_slice %arg10[%dma_start3A] : memref<10240xf32, #tpu.memory_space<vmem>> -> memref<640xf32, #tpu.memory_space<vmem>>
      %dma_start3A_66 = tpu.memref_slice %arg12[%arg0, %run_scoped3A_34, %mul3A_2] : memref<2x16x10240xf32, #tpu.memory_space<hbm>> -> memref<1x1x640xf32, #tpu.memory_space<hbm>>
      %dma_start3A_67 = tpu.memref_squeeze %dma_start3A_66 : memref<1x1x640xf32, #tpu.memory_space<hbm>> -> memref<640xf32, #tpu.memory_space<hbm>>
      %dma_start3A_68 = arith.constant 640 : i32
      %dma_start3A_69 = tpu.memref_slice %arg10[%dma_start3A_68] : memref<10240xf32, #tpu.memory_space<vmem>> -> memref<640xf32, #tpu.memory_space<vmem>>
      %dma_start3A_70 = tpu.memref_slice %arg12[%arg0, %run_scoped3A_34, %mul3A_2] : memref<2x16x10240xf32, #tpu.memory_space<hbm>> -> memref<1x1x640xf32, #tpu.memory_space<hbm>>
      %dma_start3A_71 = tpu.memref_squeeze %dma_start3A_70 : memref<1x1x640xf32, #tpu.memory_space<hbm>> -> memref<640xf32, #tpu.memory_space<hbm>>
      tpu.enqueue_dma source(%dma_start3A_71 : memref<640xf32, #tpu.memory_space<hbm>>) target(%dma_start3A_69 : memref<640xf32, #tpu.memory_space<vmem>>) target_semaphore(%run_scoped3A_64 : memref<!tpu.dma_semaphore, #tpu.memory_space<semaphore_mem>>)
      %dma_wait3A = arith.constant 640 : i32
      %dma_wait3A_72 = tpu.memref_slice %arg10[%dma_wait3A] : memref<10240xf32, #tpu.memory_space<vmem>> -> memref<640xf32, #tpu.memory_space<vmem>>
      %dma_wait3A_73 = tpu.memref_slice %arg12[%arg0, %run_scoped3A_34, %mul3A_2] : memref<2x16x10240xf32, #tpu.memory_space<hbm>> -> memref<1x1x640xf32, #tpu.memory_space<hbm>>
      %dma_wait3A_74 = tpu.memref_squeeze %dma_wait3A_73 : memref<1x1x640xf32, #tpu.memory_space<hbm>> -> memref<640xf32, #tpu.memory_space<hbm>>
      %dma_wait3A_75 = arith.constant 640 : i32
      %dma_wait3A_76 = tpu.memref_slice %arg10[%dma_wait3A_75] : memref<10240xf32, #tpu.memory_space<vmem>> -> memref<640xf32, #tpu.memory_space<vmem>>
      %dma_wait3A_77 = tpu.memref_slice %arg12[%arg0, %run_scoped3A_34, %mul3A_2] : memref<2x16x10240xf32, #tpu.memory_space<hbm>> -> memref<1x1x640xf32, #tpu.memory_space<hbm>>
      %dma_wait3A_78 = tpu.memref_squeeze %dma_wait3A_77 : memref<1x1x640xf32, #tpu.memory_space<hbm>> -> memref<640xf32, #tpu.memory_space<hbm>>
      tpu.wait_dma2 semaphore(%run_scoped3A_64 : memref<!tpu.dma_semaphore, #tpu.memory_space<semaphore_mem>>) src(%dma_wait3A_78 : memref<640xf32, #tpu.memory_space<hbm>>) dst(%dma_wait3A_76 : memref<640xf32, #tpu.memory_space<vmem>>)
      tpu.yield
    }) : () -> ()
    %run_scoped3A_35 = arith.constant 2 : i32
    "tpu.region"() ({
      %run_scoped3A_64 = tpu.sem_alloc : memref<!tpu.dma_semaphore, #tpu.memory_space<semaphore_mem>>
      %dma_start3A = arith.constant 1280 : i32
      %dma_start3A_65 = tpu.memref_slice %arg10[%dma_start3A] : memref<10240xf32, #tpu.memory_space<vmem>> -> memref<640xf32, #tpu.memory_space<vmem>>
      %dma_start3A_66 = tpu.memref_slice %arg12[%arg0, %run_scoped3A_35, %mul3A_2] : memref<2x16x10240xf32, #tpu.memory_space<hbm>> -> memref<1x1x640xf32, #tpu.memory_space<hbm>>
      %dma_start3A_67 = tpu.memref_squeeze %dma_start3A_66 : memref<1x1x640xf32, #tpu.memory_space<hbm>> -> memref<640xf32, #tpu.memory_space<hbm>>
      %dma_start3A_68 = arith.constant 1280 : i32
      %dma_start3A_69 = tpu.memref_slice %arg10[%dma_start3A_68] : memref<10240xf32, #tpu.memory_space<vmem>> -> memref<640xf32, #tpu.memory_space<vmem>>
      %dma_start3A_70 = tpu.memref_slice %arg12[%arg0, %run_scoped3A_35, %mul3A_2] : memref<2x16x10240xf32, #tpu.memory_space<hbm>> -> memref<1x1x640xf32, #tpu.memory_space<hbm>>
      %dma_start3A_71 = tpu.memref_squeeze %dma_start3A_70 : memref<1x1x640xf32, #tpu.memory_space<hbm>> -> memref<640xf32, #tpu.memory_space<hbm>>
      tpu.enqueue_dma source(%dma_start3A_71 : memref<640xf32, #tpu.memory_space<hbm>>) target(%dma_start3A_69 : memref<640xf32, #tpu.memory_space<vmem>>) target_semaphore(%run_scoped3A_64 : memref<!tpu.dma_semaphore, #tpu.memory_space<semaphore_mem>>)
      %dma_wait3A = arith.constant 1280 : i32
      %dma_wait3A_72 = tpu.memref_slice %arg10[%dma_wait3A] : memref<10240xf32, #tpu.memory_space<vmem>> -> memref<640xf32, #tpu.memory_space<vmem>>
      %dma_wait3A_73 = tpu.memref_slice %arg12[%arg0, %run_scoped3A_35, %mul3A_2] : memref<2x16x10240xf32, #tpu.memory_space<hbm>> -> memref<1x1x640xf32, #tpu.memory_space<hbm>>
      %dma_wait3A_74 = tpu.memref_squeeze %dma_wait3A_73 : memref<1x1x640xf32, #tpu.memory_space<hbm>> -> memref<640xf32, #tpu.memory_space<hbm>>
      %dma_wait3A_75 = arith.constant 1280 : i32
      %dma_wait3A_76 = tpu.memref_slice %arg10[%dma_wait3A_75] : memref<10240xf32, #tpu.memory_space<vmem>> -> memref<640xf32, #tpu.memory_space<vmem>>
      %dma_wait3A_77 = tpu.memref_slice %arg12[%arg0, %run_scoped3A_35, %mul3A_2] : memref<2x16x10240xf32, #tpu.memory_space<hbm>> -> memref<1x1x640xf32, #tpu.memory_space<hbm>>
      %dma_wait3A_78 = tpu.memref_squeeze %dma_wait3A_77 : memref<1x1x640xf32, #tpu.memory_space<hbm>> -> memref<640xf32, #tpu.memory_space<hbm>>
      tpu.wait_dma2 semaphore(%run_scoped3A_64 : memref<!tpu.dma_semaphore, #tpu.memory_space<semaphore_mem>>) src(%dma_wait3A_78 : memref<640xf32, #tpu.memory_space<hbm>>) dst(%dma_wait3A_76 : memref<640xf32, #tpu.memory_space<vmem>>)
      tpu.yield
    }) : () -> ()
    %run_scoped3A_36 = arith.constant 3 : i32
    "tpu.region"() ({
      %run_scoped3A_64 = tpu.sem_alloc : memref<!tpu.dma_semaphore, #tpu.memory_space<semaphore_mem>>
      %dma_start3A = arith.constant 1920 : i32
      %dma_start3A_65 = tpu.memref_slice %arg10[%dma_start3A] : memref<10240xf32, #tpu.memory_space<vmem>> -> memref<640xf32, #tpu.memory_space<vmem>>
      %dma_start3A_66 = tpu.memref_slice %arg12[%arg0, %run_scoped3A_36, %mul3A_2] : memref<2x16x10240xf32, #tpu.memory_space<hbm>> -> memref<1x1x640xf32, #tpu.memory_space<hbm>>
      %dma_start3A_67 = tpu.memref_squeeze %dma_start3A_66 : memref<1x1x640xf32, #tpu.memory_space<hbm>> -> memref<640xf32, #tpu.memory_space<hbm>>
      %dma_start3A_68 = arith.constant 1920 : i32
      %dma_start3A_69 = tpu.memref_slice %arg10[%dma_start3A_68] : memref<10240xf32, #tpu.memory_space<vmem>> -> memref<640xf32, #tpu.memory_space<vmem>>
      %dma_start3A_70 = tpu.memref_slice %arg12[%arg0, %run_scoped3A_36, %mul3A_2] : memref<2x16x10240xf32, #tpu.memory_space<hbm>> -> memref<1x1x640xf32, #tpu.memory_space<hbm>>
      %dma_start3A_71 = tpu.memref_squeeze %dma_start3A_70 : memref<1x1x640xf32, #tpu.memory_space<hbm>> -> memref<640xf32, #tpu.memory_space<hbm>>
      tpu.enqueue_dma source(%dma_start3A_71 : memref<640xf32, #tpu.memory_space<hbm>>) target(%dma_start3A_69 : memref<640xf32, #tpu.memory_space<vmem>>) target_semaphore(%run_scoped3A_64 : memref<!tpu.dma_semaphore, #tpu.memory_space<semaphore_mem>>)
      %dma_wait3A = arith.constant 1920 : i32
      %dma_wait3A_72 = tpu.memref_slice %arg10[%dma_wait3A] : memref<10240xf32, #tpu.memory_space<vmem>> -> memref<640xf32, #tpu.memory_space<vmem>>
      %dma_wait3A_73 = tpu.memref_slice %arg12[%arg0, %run_scoped3A_36, %mul3A_2] : memref<2x16x10240xf32, #tpu.memory_space<hbm>> -> memref<1x1x640xf32, #tpu.memory_space<hbm>>
      %dma_wait3A_74 = tpu.memref_squeeze %dma_wait3A_73 : memref<1x1x640xf32, #tpu.memory_space<hbm>> -> memref<640xf32, #tpu.memory_space<hbm>>
      %dma_wait3A_75 = arith.constant 1920 : i32
      %dma_wait3A_76 = tpu.memref_slice %arg10[%dma_wait3A_75] : memref<10240xf32, #tpu.memory_space<vmem>> -> memref<640xf32, #tpu.memory_space<vmem>>
      %dma_wait3A_77 = tpu.memref_slice %arg12[%arg0, %run_scoped3A_36, %mul3A_2] : memref<2x16x10240xf32, #tpu.memory_space<hbm>> -> memref<1x1x640xf32, #tpu.memory_space<hbm>>
      %dma_wait3A_78 = tpu.memref_squeeze %dma_wait3A_77 : memref<1x1x640xf32, #tpu.memory_space<hbm>> -> memref<640xf32, #tpu.memory_space<hbm>>
      tpu.wait_dma2 semaphore(%run_scoped3A_64 : memref<!tpu.dma_semaphore, #tpu.memory_space<semaphore_mem>>) src(%dma_wait3A_78 : memref<640xf32, #tpu.memory_space<hbm>>) dst(%dma_wait3A_76 : memref<640xf32, #tpu.memory_space<vmem>>)
      tpu.yield
    }) : () -> ()
    %run_scoped3A_37 = arith.constant 4 : i32
    "tpu.region"() ({
      %run_scoped3A_64 = tpu.sem_alloc : memref<!tpu.dma_semaphore, #tpu.memory_space<semaphore_mem>>
      %dma_start3A = arith.constant 2560 : i32
      %dma_start3A_65 = tpu.memref_slice %arg10[%dma_start3A] : memref<10240xf32, #tpu.memory_space<vmem>> -> memref<640xf32, #tpu.memory_space<vmem>>
      %dma_start3A_66 = tpu.memref_slice %arg12[%arg0, %run_scoped3A_37, %mul3A_2] : memref<2x16x10240xf32, #tpu.memory_space<hbm>> -> memref<1x1x640xf32, #tpu.memory_space<hbm>>
      %dma_start3A_67 = tpu.memref_squeeze %dma_start3A_66 : memref<1x1x640xf32, #tpu.memory_space<hbm>> -> memref<640xf32, #tpu.memory_space<hbm>>
      %dma_start3A_68 = arith.constant 2560 : i32
      %dma_start3A_69 = tpu.memref_slice %arg10[%dma_start3A_68] : memref<10240xf32, #tpu.memory_space<vmem>> -> memref<640xf32, #tpu.memory_space<vmem>>
      %dma_start3A_70 = tpu.memref_slice %arg12[%arg0, %run_scoped3A_37, %mul3A_2] : memref<2x16x10240xf32, #tpu.memory_space<hbm>> -> memref<1x1x640xf32, #tpu.memory_space<hbm>>
      %dma_start3A_71 = tpu.memref_squeeze %dma_start3A_70 : memref<1x1x640xf32, #tpu.memory_space<hbm>> -> memref<640xf32, #tpu.memory_space<hbm>>
      tpu.enqueue_dma source(%dma_start3A_71 : memref<640xf32, #tpu.memory_space<hbm>>) target(%dma_start3A_69 : memref<640xf32, #tpu.memory_space<vmem>>) target_semaphore(%run_scoped3A_64 : memref<!tpu.dma_semaphore, #tpu.memory_space<semaphore_mem>>)
      %dma_wait3A = arith.constant 2560 : i32
      %dma_wait3A_72 = tpu.memref_slice %arg10[%dma_wait3A] : memref<10240xf32, #tpu.memory_space<vmem>> -> memref<640xf32, #tpu.memory_space<vmem>>
      %dma_wait3A_73 = tpu.memref_slice %arg12[%arg0, %run_scoped3A_37, %mul3A_2] : memref<2x16x10240xf32, #tpu.memory_space<hbm>> -> memref<1x1x640xf32, #tpu.memory_space<hbm>>
      %dma_wait3A_74 = tpu.memref_squeeze %dma_wait3A_73 : memref<1x1x640xf32, #tpu.memory_space<hbm>> -> memref<640xf32, #tpu.memory_space<hbm>>
      %dma_wait3A_75 = arith.constant 2560 : i32
      %dma_wait3A_76 = tpu.memref_slice %arg10[%dma_wait3A_75] : memref<10240xf32, #tpu.memory_space<vmem>> -> memref<640xf32, #tpu.memory_space<vmem>>
      %dma_wait3A_77 = tpu.memref_slice %arg12[%arg0, %run_scoped3A_37, %mul3A_2] : memref<2x16x10240xf32, #tpu.memory_space<hbm>> -> memref<1x1x640xf32, #tpu.memory_space<hbm>>
      %dma_wait3A_78 = tpu.memref_squeeze %dma_wait3A_77 : memref<1x1x640xf32, #tpu.memory_space<hbm>> -> memref<640xf32, #tpu.memory_space<hbm>>
      tpu.wait_dma2 semaphore(%run_scoped3A_64 : memref<!tpu.dma_semaphore, #tpu.memory_space<semaphore_mem>>) src(%dma_wait3A_78 : memref<640xf32, #tpu.memory_space<hbm>>) dst(%dma_wait3A_76 : memref<640xf32, #tpu.memory_space<vmem>>)
      tpu.yield
    }) : () -> ()
    %run_scoped3A_38 = arith.constant 5 : i32
    "tpu.region"() ({
      %run_scoped3A_64 = tpu.sem_alloc : memref<!tpu.dma_semaphore, #tpu.memory_space<semaphore_mem>>
      %dma_start3A = arith.constant 3200 : i32
      %dma_start3A_65 = tpu.memref_slice %arg10[%dma_start3A] : memref<10240xf32, #tpu.memory_space<vmem>> -> memref<640xf32, #tpu.memory_space<vmem>>
      %dma_start3A_66 = tpu.memref_slice %arg12[%arg0, %run_scoped3A_38, %mul3A_2] : memref<2x16x10240xf32, #tpu.memory_space<hbm>> -> memref<1x1x640xf32, #tpu.memory_space<hbm>>
      %dma_start3A_67 = tpu.memref_squeeze %dma_start3A_66 : memref<1x1x640xf32, #tpu.memory_space<hbm>> -> memref<640xf32, #tpu.memory_space<hbm>>
      %dma_start3A_68 = arith.constant 3200 : i32
      %dma_start3A_69 = tpu.memref_slice %arg10[%dma_start3A_68] : memref<10240xf32, #tpu.memory_space<vmem>> -> memref<640xf32, #tpu.memory_space<vmem>>
      %dma_start3A_70 = tpu.memref_slice %arg12[%arg0, %run_scoped3A_38, %mul3A_2] : memref<2x16x10240xf32, #tpu.memory_space<hbm>> -> memref<1x1x640xf32, #tpu.memory_space<hbm>>
      %dma_start3A_71 = tpu.memref_squeeze %dma_start3A_70 : memref<1x1x640xf32, #tpu.memory_space<hbm>> -> memref<640xf32, #tpu.memory_space<hbm>>
      tpu.enqueue_dma source(%dma_start3A_71 : memref<640xf32, #tpu.memory_space<hbm>>) target(%dma_start3A_69 : memref<640xf32, #tpu.memory_space<vmem>>) target_semaphore(%run_scoped3A_64 : memref<!tpu.dma_semaphore, #tpu.memory_space<semaphore_mem>>)
      %dma_wait3A = arith.constant 3200 : i32
      %dma_wait3A_72 = tpu.memref_slice %arg10[%dma_wait3A] : memref<10240xf32, #tpu.memory_space<vmem>> -> memref<640xf32, #tpu.memory_space<vmem>>
      %dma_wait3A_73 = tpu.memref_slice %arg12[%arg0, %run_scoped3A_38, %mul3A_2] : memref<2x16x10240xf32, #tpu.memory_space<hbm>> -> memref<1x1x640xf32, #tpu.memory_space<hbm>>
      %dma_wait3A_74 = tpu.memref_squeeze %dma_wait3A_73 : memref<1x1x640xf32, #tpu.memory_space<hbm>> -> memref<640xf32, #tpu.memory_space<hbm>>
      %dma_wait3A_75 = arith.constant 3200 : i32
      %dma_wait3A_76 = tpu.memref_slice %arg10[%dma_wait3A_75] : memref<10240xf32, #tpu.memory_space<vmem>> -> memref<640xf32, #tpu.memory_space<vmem>>
      %dma_wait3A_77 = tpu.memref_slice %arg12[%arg0, %run_scoped3A_38, %mul3A_2] : memref<2x16x10240xf32, #tpu.memory_space<hbm>> -> memref<1x1x640xf32, #tpu.memory_space<hbm>>
      %dma_wait3A_78 = tpu.memref_squeeze %dma_wait3A_77 : memref<1x1x640xf32, #tpu.memory_space<hbm>> -> memref<640xf32, #tpu.memory_space<hbm>>
      tpu.wait_dma2 semaphore(%run_scoped3A_64 : memref<!tpu.dma_semaphore, #tpu.memory_space<semaphore_mem>>) src(%dma_wait3A_78 : memref<640xf32, #tpu.memory_space<hbm>>) dst(%dma_wait3A_76 : memref<640xf32, #tpu.memory_space<vmem>>)
      tpu.yield
    }) : () -> ()
    %run_scoped3A_39 = arith.constant 6 : i32
    "tpu.region"() ({
      %run_scoped3A_64 = tpu.sem_alloc : memref<!tpu.dma_semaphore, #tpu.memory_space<semaphore_mem>>
      %dma_start3A = arith.constant 3840 : i32
      %dma_start3A_65 = tpu.memref_slice %arg10[%dma_start3A] : memref<10240xf32, #tpu.memory_space<vmem>> -> memref<640xf32, #tpu.memory_space<vmem>>
      %dma_start3A_66 = tpu.memref_slice %arg12[%arg0, %run_scoped3A_39, %mul3A_2] : memref<2x16x10240xf32, #tpu.memory_space<hbm>> -> memref<1x1x640xf32, #tpu.memory_space<hbm>>
      %dma_start3A_67 = tpu.memref_squeeze %dma_start3A_66 : memref<1x1x640xf32, #tpu.memory_space<hbm>> -> memref<640xf32, #tpu.memory_space<hbm>>
      %dma_start3A_68 = arith.constant 3840 : i32
      %dma_start3A_69 = tpu.memref_slice %arg10[%dma_start3A_68] : memref<10240xf32, #tpu.memory_space<vmem>> -> memref<640xf32, #tpu.memory_space<vmem>>
      %dma_start3A_70 = tpu.memref_slice %arg12[%arg0, %run_scoped3A_39, %mul3A_2] : memref<2x16x10240xf32, #tpu.memory_space<hbm>> -> memref<1x1x640xf32, #tpu.memory_space<hbm>>
      %dma_start3A_71 = tpu.memref_squeeze %dma_start3A_70 : memref<1x1x640xf32, #tpu.memory_space<hbm>> -> memref<640xf32, #tpu.memory_space<hbm>>
      tpu.enqueue_dma source(%dma_start3A_71 : memref<640xf32, #tpu.memory_space<hbm>>) target(%dma_start3A_69 : memref<640xf32, #tpu.memory_space<vmem>>) target_semaphore(%run_scoped3A_64 : memref<!tpu.dma_semaphore, #tpu.memory_space<semaphore_mem>>)
      %dma_wait3A = arith.constant 3840 : i32
      %dma_wait3A_72 = tpu.memref_slice %arg10[%dma_wait3A] : memref<10240xf32, #tpu.memory_space<vmem>> -> memref<640xf32, #tpu.memory_space<vmem>>
      %dma_wait3A_73 = tpu.memref_slice %arg12[%arg0, %run_scoped3A_39, %mul3A_2] : memref<2x16x10240xf32, #tpu.memory_space<hbm>> -> memref<1x1x640xf32, #tpu.memory_space<hbm>>
      %dma_wait3A_74 = tpu.memref_squeeze %dma_wait3A_73 : memref<1x1x640xf32, #tpu.memory_space<hbm>> -> memref<640xf32, #tpu.memory_space<hbm>>
      %dma_wait3A_75 = arith.constant 3840 : i32
      %dma_wait3A_76 = tpu.memref_slice %arg10[%dma_wait3A_75] : memref<10240xf32, #tpu.memory_space<vmem>> -> memref<640xf32, #tpu.memory_space<vmem>>
      %dma_wait3A_77 = tpu.memref_slice %arg12[%arg0, %run_scoped3A_39, %mul3A_2] : memref<2x16x10240xf32, #tpu.memory_space<hbm>> -> memref<1x1x640xf32, #tpu.memory_space<hbm>>
      %dma_wait3A_78 = tpu.memref_squeeze %dma_wait3A_77 : memref<1x1x640xf32, #tpu.memory_space<hbm>> -> memref<640xf32, #tpu.memory_space<hbm>>
      tpu.wait_dma2 semaphore(%run_scoped3A_64 : memref<!tpu.dma_semaphore, #tpu.memory_space<semaphore_mem>>) src(%dma_wait3A_78 : memref<640xf32, #tpu.memory_space<hbm>>) dst(%dma_wait3A_76 : memref<640xf32, #tpu.memory_space<vmem>>)
      tpu.yield
    }) : () -> ()
    %run_scoped3A_40 = arith.constant 7 : i32
    "tpu.region"() ({
      %run_scoped3A_64 = tpu.sem_alloc : memref<!tpu.dma_semaphore, #tpu.memory_space<semaphore_mem>>
      %dma_start3A = arith.constant 4480 : i32
      %dma_start3A_65 = tpu.memref_slice %arg10[%dma_start3A] : memref<10240xf32, #tpu.memory_space<vmem>> -> memref<640xf32, #tpu.memory_space<vmem>>
      %dma_start3A_66 = tpu.memref_slice %arg12[%arg0, %run_scoped3A_40, %mul3A_2] : memref<2x16x10240xf32, #tpu.memory_space<hbm>> -> memref<1x1x640xf32, #tpu.memory_space<hbm>>
      %dma_start3A_67 = tpu.memref_squeeze %dma_start3A_66 : memref<1x1x640xf32, #tpu.memory_space<hbm>> -> memref<640xf32, #tpu.memory_space<hbm>>
      %dma_start3A_68 = arith.constant 4480 : i32
      %dma_start3A_69 = tpu.memref_slice %arg10[%dma_start3A_68] : memref<10240xf32, #tpu.memory_space<vmem>> -> memref<640xf32, #tpu.memory_space<vmem>>
      %dma_start3A_70 = tpu.memref_slice %arg12[%arg0, %run_scoped3A_40, %mul3A_2] : memref<2x16x10240xf32, #tpu.memory_space<hbm>> -> memref<1x1x640xf32, #tpu.memory_space<hbm>>
      %dma_start3A_71 = tpu.memref_squeeze %dma_start3A_70 : memref<1x1x640xf32, #tpu.memory_space<hbm>> -> memref<640xf32, #tpu.memory_space<hbm>>
      tpu.enqueue_dma source(%dma_start3A_71 : memref<640xf32, #tpu.memory_space<hbm>>) target(%dma_start3A_69 : memref<640xf32, #tpu.memory_space<vmem>>) target_semaphore(%run_scoped3A_64 : memref<!tpu.dma_semaphore, #tpu.memory_space<semaphore_mem>>)
      %dma_wait3A = arith.constant 4480 : i32
      %dma_wait3A_72 = tpu.memref_slice %arg10[%dma_wait3A] : memref<10240xf32, #tpu.memory_space<vmem>> -> memref<640xf32, #tpu.memory_space<vmem>>
      %dma_wait3A_73 = tpu.memref_slice %arg12[%arg0, %run_scoped3A_40, %mul3A_2] : memref<2x16x10240xf32, #tpu.memory_space<hbm>> -> memref<1x1x640xf32, #tpu.memory_space<hbm>>
      %dma_wait3A_74 = tpu.memref_squeeze %dma_wait3A_73 : memref<1x1x640xf32, #tpu.memory_space<hbm>> -> memref<640xf32, #tpu.memory_space<hbm>>
      %dma_wait3A_75 = arith.constant 4480 : i32
      %dma_wait3A_76 = tpu.memref_slice %arg10[%dma_wait3A_75] : memref<10240xf32, #tpu.memory_space<vmem>> -> memref<640xf32, #tpu.memory_space<vmem>>
      %dma_wait3A_77 = tpu.memref_slice %arg12[%arg0, %run_scoped3A_40, %mul3A_2] : memref<2x16x10240xf32, #tpu.memory_space<hbm>> -> memref<1x1x640xf32, #tpu.memory_space<hbm>>
      %dma_wait3A_78 = tpu.memref_squeeze %dma_wait3A_77 : memref<1x1x640xf32, #tpu.memory_space<hbm>> -> memref<640xf32, #tpu.memory_space<hbm>>
      tpu.wait_dma2 semaphore(%run_scoped3A_64 : memref<!tpu.dma_semaphore, #tpu.memory_space<semaphore_mem>>) src(%dma_wait3A_78 : memref<640xf32, #tpu.memory_space<hbm>>) dst(%dma_wait3A_76 : memref<640xf32, #tpu.memory_space<vmem>>)
      tpu.yield
    }) : () -> ()
    %run_scoped3A_41 = arith.constant 8 : i32
    "tpu.region"() ({
      %run_scoped3A_64 = tpu.sem_alloc : memref<!tpu.dma_semaphore, #tpu.memory_space<semaphore_mem>>
      %dma_start3A = arith.constant 5120 : i32
      %dma_start3A_65 = tpu.memref_slice %arg10[%dma_start3A] : memref<10240xf32, #tpu.memory_space<vmem>> -> memref<640xf32, #tpu.memory_space<vmem>>
      %dma_start3A_66 = tpu.memref_slice %arg12[%arg0, %run_scoped3A_41, %mul3A_2] : memref<2x16x10240xf32, #tpu.memory_space<hbm>> -> memref<1x1x640xf32, #tpu.memory_space<hbm>>
      %dma_start3A_67 = tpu.memref_squeeze %dma_start3A_66 : memref<1x1x640xf32, #tpu.memory_space<hbm>> -> memref<640xf32, #tpu.memory_space<hbm>>
      %dma_start3A_68 = arith.constant 5120 : i32
      %dma_start3A_69 = tpu.memref_slice %arg10[%dma_start3A_68] : memref<10240xf32, #tpu.memory_space<vmem>> -> memref<640xf32, #tpu.memory_space<vmem>>
      %dma_start3A_70 = tpu.memref_slice %arg12[%arg0, %run_scoped3A_41, %mul3A_2] : memref<2x16x10240xf32, #tpu.memory_space<hbm>> -> memref<1x1x640xf32, #tpu.memory_space<hbm>>
      %dma_start3A_71 = tpu.memref_squeeze %dma_start3A_70 : memref<1x1x640xf32, #tpu.memory_space<hbm>> -> memref<640xf32, #tpu.memory_space<hbm>>
      tpu.enqueue_dma source(%dma_start3A_71 : memref<640xf32, #tpu.memory_space<hbm>>) target(%dma_start3A_69 : memref<640xf32, #tpu.memory_space<vmem>>) target_semaphore(%run_scoped3A_64 : memref<!tpu.dma_semaphore, #tpu.memory_space<semaphore_mem>>)
      %dma_wait3A = arith.constant 5120 : i32
      %dma_wait3A_72 = tpu.memref_slice %arg10[%dma_wait3A] : memref<10240xf32, #tpu.memory_space<vmem>> -> memref<640xf32, #tpu.memory_space<vmem>>
      %dma_wait3A_73 = tpu.memref_slice %arg12[%arg0, %run_scoped3A_41, %mul3A_2] : memref<2x16x10240xf32, #tpu.memory_space<hbm>> -> memref<1x1x640xf32, #tpu.memory_space<hbm>>
      %dma_wait3A_74 = tpu.memref_squeeze %dma_wait3A_73 : memref<1x1x640xf32, #tpu.memory_space<hbm>> -> memref<640xf32, #tpu.memory_space<hbm>>
      %dma_wait3A_75 = arith.constant 5120 : i32
      %dma_wait3A_76 = tpu.memref_slice %arg10[%dma_wait3A_75] : memref<10240xf32, #tpu.memory_space<vmem>> -> memref<640xf32, #tpu.memory_space<vmem>>
      %dma_wait3A_77 = tpu.memref_slice %arg12[%arg0, %run_scoped3A_41, %mul3A_2] : memref<2x16x10240xf32, #tpu.memory_space<hbm>> -> memref<1x1x640xf32, #tpu.memory_space<hbm>>
      %dma_wait3A_78 = tpu.memref_squeeze %dma_wait3A_77 : memref<1x1x640xf32, #tpu.memory_space<hbm>> -> memref<640xf32, #tpu.memory_space<hbm>>
      tpu.wait_dma2 semaphore(%run_scoped3A_64 : memref<!tpu.dma_semaphore, #tpu.memory_space<semaphore_mem>>) src(%dma_wait3A_78 : memref<640xf32, #tpu.memory_space<hbm>>) dst(%dma_wait3A_76 : memref<640xf32, #tpu.memory_space<vmem>>)
      tpu.yield
    }) : () -> ()
    %run_scoped3A_42 = arith.constant 9 : i32
    "tpu.region"() ({
      %run_scoped3A_64 = tpu.sem_alloc : memref<!tpu.dma_semaphore, #tpu.memory_space<semaphore_mem>>
      %dma_start3A = arith.constant 5760 : i32
      %dma_start3A_65 = tpu.memref_slice %arg10[%dma_start3A] : memref<10240xf32, #tpu.memory_space<vmem>> -> memref<640xf32, #tpu.memory_space<vmem>>
      %dma_start3A_66 = tpu.memref_slice %arg12[%arg0, %run_scoped3A_42, %mul3A_2] : memref<2x16x10240xf32, #tpu.memory_space<hbm>> -> memref<1x1x640xf32, #tpu.memory_space<hbm>>
      %dma_start3A_67 = tpu.memref_squeeze %dma_start3A_66 : memref<1x1x640xf32, #tpu.memory_space<hbm>> -> memref<640xf32, #tpu.memory_space<hbm>>
      %dma_start3A_68 = arith.constant 5760 : i32
      %dma_start3A_69 = tpu.memref_slice %arg10[%dma_start3A_68] : memref<10240xf32, #tpu.memory_space<vmem>> -> memref<640xf32, #tpu.memory_space<vmem>>
      %dma_start3A_70 = tpu.memref_slice %arg12[%arg0, %run_scoped3A_42, %mul3A_2] : memref<2x16x10240xf32, #tpu.memory_space<hbm>> -> memref<1x1x640xf32, #tpu.memory_space<hbm>>
      %dma_start3A_71 = tpu.memref_squeeze %dma_start3A_70 : memref<1x1x640xf32, #tpu.memory_space<hbm>> -> memref<640xf32, #tpu.memory_space<hbm>>
      tpu.enqueue_dma source(%dma_start3A_71 : memref<640xf32, #tpu.memory_space<hbm>>) target(%dma_start3A_69 : memref<640xf32, #tpu.memory_space<vmem>>) target_semaphore(%run_scoped3A_64 : memref<!tpu.dma_semaphore, #tpu.memory_space<semaphore_mem>>)
      %dma_wait3A = arith.constant 5760 : i32
      %dma_wait3A_72 = tpu.memref_slice %arg10[%dma_wait3A] : memref<10240xf32, #tpu.memory_space<vmem>> -> memref<640xf32, #tpu.memory_space<vmem>>
      %dma_wait3A_73 = tpu.memref_slice %arg12[%arg0, %run_scoped3A_42, %mul3A_2] : memref<2x16x10240xf32, #tpu.memory_space<hbm>> -> memref<1x1x640xf32, #tpu.memory_space<hbm>>
      %dma_wait3A_74 = tpu.memref_squeeze %dma_wait3A_73 : memref<1x1x640xf32, #tpu.memory_space<hbm>> -> memref<640xf32, #tpu.memory_space<hbm>>
      %dma_wait3A_75 = arith.constant 5760 : i32
      %dma_wait3A_76 = tpu.memref_slice %arg10[%dma_wait3A_75] : memref<10240xf32, #tpu.memory_space<vmem>> -> memref<640xf32, #tpu.memory_space<vmem>>
      %dma_wait3A_77 = tpu.memref_slice %arg12[%arg0, %run_scoped3A_42, %mul3A_2] : memref<2x16x10240xf32, #tpu.memory_space<hbm>> -> memref<1x1x640xf32, #tpu.memory_space<hbm>>
      %dma_wait3A_78 = tpu.memref_squeeze %dma_wait3A_77 : memref<1x1x640xf32, #tpu.memory_space<hbm>> -> memref<640xf32, #tpu.memory_space<hbm>>
      tpu.wait_dma2 semaphore(%run_scoped3A_64 : memref<!tpu.dma_semaphore, #tpu.memory_space<semaphore_mem>>) src(%dma_wait3A_78 : memref<640xf32, #tpu.memory_space<hbm>>) dst(%dma_wait3A_76 : memref<640xf32, #tpu.memory_space<vmem>>)
      tpu.yield
    }) : () -> ()
    %run_scoped3A_43 = arith.constant 10 : i32
    "tpu.region"() ({
      %run_scoped3A_64 = tpu.sem_alloc : memref<!tpu.dma_semaphore, #tpu.memory_space<semaphore_mem>>
      %dma_start3A = arith.constant 6400 : i32
      %dma_start3A_65 = tpu.memref_slice %arg10[%dma_start3A] : memref<10240xf32, #tpu.memory_space<vmem>> -> memref<640xf32, #tpu.memory_space<vmem>>
      %dma_start3A_66 = tpu.memref_slice %arg12[%arg0, %run_scoped3A_43, %mul3A_2] : memref<2x16x10240xf32, #tpu.memory_space<hbm>> -> memref<1x1x640xf32, #tpu.memory_space<hbm>>
      %dma_start3A_67 = tpu.memref_squeeze %dma_start3A_66 : memref<1x1x640xf32, #tpu.memory_space<hbm>> -> memref<640xf32, #tpu.memory_space<hbm>>
      %dma_start3A_68 = arith.constant 6400 : i32
      %dma_start3A_69 = tpu.memref_slice %arg10[%dma_start3A_68] : memref<10240xf32, #tpu.memory_space<vmem>> -> memref<640xf32, #tpu.memory_space<vmem>>
      %dma_start3A_70 = tpu.memref_slice %arg12[%arg0, %run_scoped3A_43, %mul3A_2] : memref<2x16x10240xf32, #tpu.memory_space<hbm>> -> memref<1x1x640xf32, #tpu.memory_space<hbm>>
      %dma_start3A_71 = tpu.memref_squeeze %dma_start3A_70 : memref<1x1x640xf32, #tpu.memory_space<hbm>> -> memref<640xf32, #tpu.memory_space<hbm>>
      tpu.enqueue_dma source(%dma_start3A_71 : memref<640xf32, #tpu.memory_space<hbm>>) target(%dma_start3A_69 : memref<640xf32, #tpu.memory_space<vmem>>) target_semaphore(%run_scoped3A_64 : memref<!tpu.dma_semaphore, #tpu.memory_space<semaphore_mem>>)
      %dma_wait3A = arith.constant 6400 : i32
      %dma_wait3A_72 = tpu.memref_slice %arg10[%dma_wait3A] : memref<10240xf32, #tpu.memory_space<vmem>> -> memref<640xf32, #tpu.memory_space<vmem>>
      %dma_wait3A_73 = tpu.memref_slice %arg12[%arg0, %run_scoped3A_43, %mul3A_2] : memref<2x16x10240xf32, #tpu.memory_space<hbm>> -> memref<1x1x640xf32, #tpu.memory_space<hbm>>
      %dma_wait3A_74 = tpu.memref_squeeze %dma_wait3A_73 : memref<1x1x640xf32, #tpu.memory_space<hbm>> -> memref<640xf32, #tpu.memory_space<hbm>>
      %dma_wait3A_75 = arith.constant 6400 : i32
      %dma_wait3A_76 = tpu.memref_slice %arg10[%dma_wait3A_75] : memref<10240xf32, #tpu.memory_space<vmem>> -> memref<640xf32, #tpu.memory_space<vmem>>
      %dma_wait3A_77 = tpu.memref_slice %arg12[%arg0, %run_scoped3A_43, %mul3A_2] : memref<2x16x10240xf32, #tpu.memory_space<hbm>> -> memref<1x1x640xf32, #tpu.memory_space<hbm>>
      %dma_wait3A_78 = tpu.memref_squeeze %dma_wait3A_77 : memref<1x1x640xf32, #tpu.memory_space<hbm>> -> memref<640xf32, #tpu.memory_space<hbm>>
      tpu.wait_dma2 semaphore(%run_scoped3A_64 : memref<!tpu.dma_semaphore, #tpu.memory_space<semaphore_mem>>) src(%dma_wait3A_78 : memref<640xf32, #tpu.memory_space<hbm>>) dst(%dma_wait3A_76 : memref<640xf32, #tpu.memory_space<vmem>>)
      tpu.yield
    }) : () -> ()
    %run_scoped3A_44 = arith.constant 11 : i32
    "tpu.region"() ({
      %run_scoped3A_64 = tpu.sem_alloc : memref<!tpu.dma_semaphore, #tpu.memory_space<semaphore_mem>>
      %dma_start3A = arith.constant 7040 : i32
      %dma_start3A_65 = tpu.memref_slice %arg10[%dma_start3A] : memref<10240xf32, #tpu.memory_space<vmem>> -> memref<640xf32, #tpu.memory_space<vmem>>
      %dma_start3A_66 = tpu.memref_slice %arg12[%arg0, %run_scoped3A_44, %mul3A_2] : memref<2x16x10240xf32, #tpu.memory_space<hbm>> -> memref<1x1x640xf32, #tpu.memory_space<hbm>>
      %dma_start3A_67 = tpu.memref_squeeze %dma_start3A_66 : memref<1x1x640xf32, #tpu.memory_space<hbm>> -> memref<640xf32, #tpu.memory_space<hbm>>
      %dma_start3A_68 = arith.constant 7040 : i32
      %dma_start3A_69 = tpu.memref_slice %arg10[%dma_start3A_68] : memref<10240xf32, #tpu.memory_space<vmem>> -> memref<640xf32, #tpu.memory_space<vmem>>
      %dma_start3A_70 = tpu.memref_slice %arg12[%arg0, %run_scoped3A_44, %mul3A_2] : memref<2x16x10240xf32, #tpu.memory_space<hbm>> -> memref<1x1x640xf32, #tpu.memory_space<hbm>>
      %dma_start3A_71 = tpu.memref_squeeze %dma_start3A_70 : memref<1x1x640xf32, #tpu.memory_space<hbm>> -> memref<640xf32, #tpu.memory_space<hbm>>
      tpu.enqueue_dma source(%dma_start3A_71 : memref<640xf32, #tpu.memory_space<hbm>>) target(%dma_start3A_69 : memref<640xf32, #tpu.memory_space<vmem>>) target_semaphore(%run_scoped3A_64 : memref<!tpu.dma_semaphore, #tpu.memory_space<semaphore_mem>>)
      %dma_wait3A = arith.constant 7040 : i32
      %dma_wait3A_72 = tpu.memref_slice %arg10[%dma_wait3A] : memref<10240xf32, #tpu.memory_space<vmem>> -> memref<640xf32, #tpu.memory_space<vmem>>
      %dma_wait3A_73 = tpu.memref_slice %arg12[%arg0, %run_scoped3A_44, %mul3A_2] : memref<2x16x10240xf32, #tpu.memory_space<hbm>> -> memref<1x1x640xf32, #tpu.memory_space<hbm>>
      %dma_wait3A_74 = tpu.memref_squeeze %dma_wait3A_73 : memref<1x1x640xf32, #tpu.memory_space<hbm>> -> memref<640xf32, #tpu.memory_space<hbm>>
      %dma_wait3A_75 = arith.constant 7040 : i32
      %dma_wait3A_76 = tpu.memref_slice %arg10[%dma_wait3A_75] : memref<10240xf32, #tpu.memory_space<vmem>> -> memref<640xf32, #tpu.memory_space<vmem>>
      %dma_wait3A_77 = tpu.memref_slice %arg12[%arg0, %run_scoped3A_44, %mul3A_2] : memref<2x16x10240xf32, #tpu.memory_space<hbm>> -> memref<1x1x640xf32, #tpu.memory_space<hbm>>
      %dma_wait3A_78 = tpu.memref_squeeze %dma_wait3A_77 : memref<1x1x640xf32, #tpu.memory_space<hbm>> -> memref<640xf32, #tpu.memory_space<hbm>>
      tpu.wait_dma2 semaphore(%run_scoped3A_64 : memref<!tpu.dma_semaphore, #tpu.memory_space<semaphore_mem>>) src(%dma_wait3A_78 : memref<640xf32, #tpu.memory_space<hbm>>) dst(%dma_wait3A_76 : memref<640xf32, #tpu.memory_space<vmem>>)
      tpu.yield
    }) : () -> ()
    %run_scoped3A_45 = arith.constant 12 : i32
    "tpu.region"() ({
      %run_scoped3A_64 = tpu.sem_alloc : memref<!tpu.dma_semaphore, #tpu.memory_space<semaphore_mem>>
      %dma_start3A = arith.constant 7680 : i32
      %dma_start3A_65 = tpu.memref_slice %arg10[%dma_start3A] : memref<10240xf32, #tpu.memory_space<vmem>> -> memref<640xf32, #tpu.memory_space<vmem>>
      %dma_start3A_66 = tpu.memref_slice %arg12[%arg0, %run_scoped3A_45, %mul3A_2] : memref<2x16x10240xf32, #tpu.memory_space<hbm>> -> memref<1x1x640xf32, #tpu.memory_space<hbm>>
      %dma_start3A_67 = tpu.memref_squeeze %dma_start3A_66 : memref<1x1x640xf32, #tpu.memory_space<hbm>> -> memref<640xf32, #tpu.memory_space<hbm>>
      %dma_start3A_68 = arith.constant 7680 : i32
      %dma_start3A_69 = tpu.memref_slice %arg10[%dma_start3A_68] : memref<10240xf32, #tpu.memory_space<vmem>> -> memref<640xf32, #tpu.memory_space<vmem>>
      %dma_start3A_70 = tpu.memref_slice %arg12[%arg0, %run_scoped3A_45, %mul3A_2] : memref<2x16x10240xf32, #tpu.memory_space<hbm>> -> memref<1x1x640xf32, #tpu.memory_space<hbm>>
      %dma_start3A_71 = tpu.memref_squeeze %dma_start3A_70 : memref<1x1x640xf32, #tpu.memory_space<hbm>> -> memref<640xf32, #tpu.memory_space<hbm>>
      tpu.enqueue_dma source(%dma_start3A_71 : memref<640xf32, #tpu.memory_space<hbm>>) target(%dma_start3A_69 : memref<640xf32, #tpu.memory_space<vmem>>) target_semaphore(%run_scoped3A_64 : memref<!tpu.dma_semaphore, #tpu.memory_space<semaphore_mem>>)
      %dma_wait3A = arith.constant 7680 : i32
      %dma_wait3A_72 = tpu.memref_slice %arg10[%dma_wait3A] : memref<10240xf32, #tpu.memory_space<vmem>> -> memref<640xf32, #tpu.memory_space<vmem>>
      %dma_wait3A_73 = tpu.memref_slice %arg12[%arg0, %run_scoped3A_45, %mul3A_2] : memref<2x16x10240xf32, #tpu.memory_space<hbm>> -> memref<1x1x640xf32, #tpu.memory_space<hbm>>
      %dma_wait3A_74 = tpu.memref_squeeze %dma_wait3A_73 : memref<1x1x640xf32, #tpu.memory_space<hbm>> -> memref<640xf32, #tpu.memory_space<hbm>>
      %dma_wait3A_75 = arith.constant 7680 : i32
      %dma_wait3A_76 = tpu.memref_slice %arg10[%dma_wait3A_75] : memref<10240xf32, #tpu.memory_space<vmem>> -> memref<640xf32, #tpu.memory_space<vmem>>
      %dma_wait3A_77 = tpu.memref_slice %arg12[%arg0, %run_scoped3A_45, %mul3A_2] : memref<2x16x10240xf32, #tpu.memory_space<hbm>> -> memref<1x1x640xf32, #tpu.memory_space<hbm>>
      %dma_wait3A_78 = tpu.memref_squeeze %dma_wait3A_77 : memref<1x1x640xf32, #tpu.memory_space<hbm>> -> memref<640xf32, #tpu.memory_space<hbm>>
      tpu.wait_dma2 semaphore(%run_scoped3A_64 : memref<!tpu.dma_semaphore, #tpu.memory_space<semaphore_mem>>) src(%dma_wait3A_78 : memref<640xf32, #tpu.memory_space<hbm>>) dst(%dma_wait3A_76 : memref<640xf32, #tpu.memory_space<vmem>>)
      tpu.yield
    }) : () -> ()
    %run_scoped3A_46 = arith.constant 13 : i32
    "tpu.region"() ({
      %run_scoped3A_64 = tpu.sem_alloc : memref<!tpu.dma_semaphore, #tpu.memory_space<semaphore_mem>>
      %dma_start3A = arith.constant 8320 : i32
      %dma_start3A_65 = tpu.memref_slice %arg10[%dma_start3A] : memref<10240xf32, #tpu.memory_space<vmem>> -> memref<640xf32, #tpu.memory_space<vmem>>
      %dma_start3A_66 = tpu.memref_slice %arg12[%arg0, %run_scoped3A_46, %mul3A_2] : memref<2x16x10240xf32, #tpu.memory_space<hbm>> -> memref<1x1x640xf32, #tpu.memory_space<hbm>>
      %dma_start3A_67 = tpu.memref_squeeze %dma_start3A_66 : memref<1x1x640xf32, #tpu.memory_space<hbm>> -> memref<640xf32, #tpu.memory_space<hbm>>
      %dma_start3A_68 = arith.constant 8320 : i32
      %dma_start3A_69 = tpu.memref_slice %arg10[%dma_start3A_68] : memref<10240xf32, #tpu.memory_space<vmem>> -> memref<640xf32, #tpu.memory_space<vmem>>
      %dma_start3A_70 = tpu.memref_slice %arg12[%arg0, %run_scoped3A_46, %mul3A_2] : memref<2x16x10240xf32, #tpu.memory_space<hbm>> -> memref<1x1x640xf32, #tpu.memory_space<hbm>>
      %dma_start3A_71 = tpu.memref_squeeze %dma_start3A_70 : memref<1x1x640xf32, #tpu.memory_space<hbm>> -> memref<640xf32, #tpu.memory_space<hbm>>
      tpu.enqueue_dma source(%dma_start3A_71 : memref<640xf32, #tpu.memory_space<hbm>>) target(%dma_start3A_69 : memref<640xf32, #tpu.memory_space<vmem>>) target_semaphore(%run_scoped3A_64 : memref<!tpu.dma_semaphore, #tpu.memory_space<semaphore_mem>>)
      %dma_wait3A = arith.constant 8320 : i32
      %dma_wait3A_72 = tpu.memref_slice %arg10[%dma_wait3A] : memref<10240xf32, #tpu.memory_space<vmem>> -> memref<640xf32, #tpu.memory_space<vmem>>
      %dma_wait3A_73 = tpu.memref_slice %arg12[%arg0, %run_scoped3A_46, %mul3A_2] : memref<2x16x10240xf32, #tpu.memory_space<hbm>> -> memref<1x1x640xf32, #tpu.memory_space<hbm>>
      %dma_wait3A_74 = tpu.memref_squeeze %dma_wait3A_73 : memref<1x1x640xf32, #tpu.memory_space<hbm>> -> memref<640xf32, #tpu.memory_space<hbm>>
      %dma_wait3A_75 = arith.constant 8320 : i32
      %dma_wait3A_76 = tpu.memref_slice %arg10[%dma_wait3A_75] : memref<10240xf32, #tpu.memory_space<vmem>> -> memref<640xf32, #tpu.memory_space<vmem>>
      %dma_wait3A_77 = tpu.memref_slice %arg12[%arg0, %run_scoped3A_46, %mul3A_2] : memref<2x16x10240xf32, #tpu.memory_space<hbm>> -> memref<1x1x640xf32, #tpu.memory_space<hbm>>
      %dma_wait3A_78 = tpu.memref_squeeze %dma_wait3A_77 : memref<1x1x640xf32, #tpu.memory_space<hbm>> -> memref<640xf32, #tpu.memory_space<hbm>>
      tpu.wait_dma2 semaphore(%run_scoped3A_64 : memref<!tpu.dma_semaphore, #tpu.memory_space<semaphore_mem>>) src(%dma_wait3A_78 : memref<640xf32, #tpu.memory_space<hbm>>) dst(%dma_wait3A_76 : memref<640xf32, #tpu.memory_space<vmem>>)
      tpu.yield
    }) : () -> ()
    %run_scoped3A_47 = arith.constant 14 : i32
    "tpu.region"() ({
      %run_scoped3A_64 = tpu.sem_alloc : memref<!tpu.dma_semaphore, #tpu.memory_space<semaphore_mem>>
      %dma_start3A = arith.constant 8960 : i32
      %dma_start3A_65 = tpu.memref_slice %arg10[%dma_start3A] : memref<10240xf32, #tpu.memory_space<vmem>> -> memref<640xf32, #tpu.memory_space<vmem>>
      %dma_start3A_66 = tpu.memref_slice %arg12[%arg0, %run_scoped3A_47, %mul3A_2] : memref<2x16x10240xf32, #tpu.memory_space<hbm>> -> memref<1x1x640xf32, #tpu.memory_space<hbm>>
      %dma_start3A_67 = tpu.memref_squeeze %dma_start3A_66 : memref<1x1x640xf32, #tpu.memory_space<hbm>> -> memref<640xf32, #tpu.memory_space<hbm>>
      %dma_start3A_68 = arith.constant 8960 : i32
      %dma_start3A_69 = tpu.memref_slice %arg10[%dma_start3A_68] : memref<10240xf32, #tpu.memory_space<vmem>> -> memref<640xf32, #tpu.memory_space<vmem>>
      %dma_start3A_70 = tpu.memref_slice %arg12[%arg0, %run_scoped3A_47, %mul3A_2] : memref<2x16x10240xf32, #tpu.memory_space<hbm>> -> memref<1x1x640xf32, #tpu.memory_space<hbm>>
      %dma_start3A_71 = tpu.memref_squeeze %dma_start3A_70 : memref<1x1x640xf32, #tpu.memory_space<hbm>> -> memref<640xf32, #tpu.memory_space<hbm>>
      tpu.enqueue_dma source(%dma_start3A_71 : memref<640xf32, #tpu.memory_space<hbm>>) target(%dma_start3A_69 : memref<640xf32, #tpu.memory_space<vmem>>) target_semaphore(%run_scoped3A_64 : memref<!tpu.dma_semaphore, #tpu.memory_space<semaphore_mem>>)
      %dma_wait3A = arith.constant 8960 : i32
      %dma_wait3A_72 = tpu.memref_slice %arg10[%dma_wait3A] : memref<10240xf32, #tpu.memory_space<vmem>> -> memref<640xf32, #tpu.memory_space<vmem>>
      %dma_wait3A_73 = tpu.memref_slice %arg12[%arg0, %run_scoped3A_47, %mul3A_2] : memref<2x16x10240xf32, #tpu.memory_space<hbm>> -> memref<1x1x640xf32, #tpu.memory_space<hbm>>
      %dma_wait3A_74 = tpu.memref_squeeze %dma_wait3A_73 : memref<1x1x640xf32, #tpu.memory_space<hbm>> -> memref<640xf32, #tpu.memory_space<hbm>>
      %dma_wait3A_75 = arith.constant 8960 : i32
      %dma_wait3A_76 = tpu.memref_slice %arg10[%dma_wait3A_75] : memref<10240xf32, #tpu.memory_space<vmem>> -> memref<640xf32, #tpu.memory_space<vmem>>
      %dma_wait3A_77 = tpu.memref_slice %arg12[%arg0, %run_scoped3A_47, %mul3A_2] : memref<2x16x10240xf32, #tpu.memory_space<hbm>> -> memref<1x1x640xf32, #tpu.memory_space<hbm>>
      %dma_wait3A_78 = tpu.memref_squeeze %dma_wait3A_77 : memref<1x1x640xf32, #tpu.memory_space<hbm>> -> memref<640xf32, #tpu.memory_space<hbm>>
      tpu.wait_dma2 semaphore(%run_scoped3A_64 : memref<!tpu.dma_semaphore, #tpu.memory_space<semaphore_mem>>) src(%dma_wait3A_78 : memref<640xf32, #tpu.memory_space<hbm>>) dst(%dma_wait3A_76 : memref<640xf32, #tpu.memory_space<vmem>>)
      tpu.yield
    }) : () -> ()
    %run_scoped3A_48 = arith.constant 15 : i32
    "tpu.region"() ({
      %run_scoped3A_64 = tpu.sem_alloc : memref<!tpu.dma_semaphore, #tpu.memory_space<semaphore_mem>>
      %dma_start3A = arith.constant 9600 : i32
      %dma_start3A_65 = tpu.memref_slice %arg10[%dma_start3A] : memref<10240xf32, #tpu.memory_space<vmem>> -> memref<640xf32, #tpu.memory_space<vmem>>
      %dma_start3A_66 = tpu.memref_slice %arg12[%arg0, %run_scoped3A_48, %mul3A_2] : memref<2x16x10240xf32, #tpu.memory_space<hbm>> -> memref<1x1x640xf32, #tpu.memory_space<hbm>>
      %dma_start3A_67 = tpu.memref_squeeze %dma_start3A_66 : memref<1x1x640xf32, #tpu.memory_space<hbm>> -> memref<640xf32, #tpu.memory_space<hbm>>
      %dma_start3A_68 = arith.constant 9600 : i32
      %dma_start3A_69 = tpu.memref_slice %arg10[%dma_start3A_68] : memref<10240xf32, #tpu.memory_space<vmem>> -> memref<640xf32, #tpu.memory_space<vmem>>
      %dma_start3A_70 = tpu.memref_slice %arg12[%arg0, %run_scoped3A_48, %mul3A_2] : memref<2x16x10240xf32, #tpu.memory_space<hbm>> -> memref<1x1x640xf32, #tpu.memory_space<hbm>>
      %dma_start3A_71 = tpu.memref_squeeze %dma_start3A_70 : memref<1x1x640xf32, #tpu.memory_space<hbm>> -> memref<640xf32, #tpu.memory_space<hbm>>
      tpu.enqueue_dma source(%dma_start3A_71 : memref<640xf32, #tpu.memory_space<hbm>>) target(%dma_start3A_69 : memref<640xf32, #tpu.memory_space<vmem>>) target_semaphore(%run_scoped3A_64 : memref<!tpu.dma_semaphore, #tpu.memory_space<semaphore_mem>>)
      %dma_wait3A = arith.constant 9600 : i32
      %dma_wait3A_72 = tpu.memref_slice %arg10[%dma_wait3A] : memref<10240xf32, #tpu.memory_space<vmem>> -> memref<640xf32, #tpu.memory_space<vmem>>
      %dma_wait3A_73 = tpu.memref_slice %arg12[%arg0, %run_scoped3A_48, %mul3A_2] : memref<2x16x10240xf32, #tpu.memory_space<hbm>> -> memref<1x1x640xf32, #tpu.memory_space<hbm>>
      %dma_wait3A_74 = tpu.memref_squeeze %dma_wait3A_73 : memref<1x1x640xf32, #tpu.memory_space<hbm>> -> memref<640xf32, #tpu.memory_space<hbm>>
      %dma_wait3A_75 = arith.constant 9600 : i32
      %dma_wait3A_76 = tpu.memref_slice %arg10[%dma_wait3A_75] : memref<10240xf32, #tpu.memory_space<vmem>> -> memref<640xf32, #tpu.memory_space<vmem>>
      %dma_wait3A_77 = tpu.memref_slice %arg12[%arg0, %run_scoped3A_48, %mul3A_2] : memref<2x16x10240xf32, #tpu.memory_space<hbm>> -> memref<1x1x640xf32, #tpu.memory_space<hbm>>
      %dma_wait3A_78 = tpu.memref_squeeze %dma_wait3A_77 : memref<1x1x640xf32, #tpu.memory_space<hbm>> -> memref<640xf32, #tpu.memory_space<hbm>>
      tpu.wait_dma2 semaphore(%run_scoped3A_64 : memref<!tpu.dma_semaphore, #tpu.memory_space<semaphore_mem>>) src(%dma_wait3A_78 : memref<640xf32, #tpu.memory_space<hbm>>) dst(%dma_wait3A_76 : memref<640xf32, #tpu.memory_space<vmem>>)
      tpu.yield
    }) : () -> ()
    %scan3A_49 = arith.constant 0 : i32
    %scan3A_50 = arith.constant 0 : i32
    %scan3A_51 = arith.constant 40 : i32
    %scan3A_52 = arith.addi %scan3A_50, %scan3A_51 : i32
    %scan3A_53 = arith.constant 1 : i32
    scf.for %scan3A_64 = %scan3A_50 to %scan3A_52 step %scan3A_53  : i32 {
      %mul3A_65 = arith.constant 16 : i32
      %mul3A_66 = arith.muli %scan3A_64, %mul3A_65 : i32
      %get3A = arith.index_cast %mul3A_66 : i32 to index
      %get3A_67 = tpu.vector_load %arg10[%get3A] {strides = array<i32>} : memref<10240xf32, #tpu.memory_space<vmem>>, vector<16xf32>,
      %mul3A_68 = arith.constant 16 : i32
      %mul3A_69 = arith.muli %scan3A_64, %mul3A_68 : i32
      %add3A_70 = arith.constant 640 : i32
      %add3A_71 = arith.addi %add3A_70, %mul3A_69 : i32
      %get3A_72 = arith.index_cast %add3A_71 : i32 to index
      %get3A_73 = tpu.vector_load %arg10[%get3A_72] {strides = array<i32>} : memref<10240xf32, #tpu.memory_space<vmem>>, vector<16xf32>,
      %add3A_74 = arith.addf %get3A_67, %get3A_73 : vector<16xf32>
      %mul3A_75 = arith.constant 16 : i32
      %mul3A_76 = arith.muli %scan3A_64, %mul3A_75 : i32
      %add3A_77 = arith.constant 1280 : i32
      %add3A_78 = arith.addi %add3A_77, %mul3A_76 : i32
      %get3A_79 = arith.index_cast %add3A_78 : i32 to index
      %get3A_80 = tpu.vector_load %arg10[%get3A_79] {strides = array<i32>} : memref<10240xf32, #tpu.memory_space<vmem>>, vector<16xf32>,
      %add3A_81 = arith.addf %add3A_74, %get3A_80 : vector<16xf32>
      %mul3A_82 = arith.constant 16 : i32
      %mul3A_83 = arith.muli %scan3A_64, %mul3A_82 : i32
      %add3A_84 = arith.constant 1920 : i32
      %add3A_85 = arith.addi %add3A_84, %mul3A_83 : i32
      %get3A_86 = arith.index_cast %add3A_85 : i32 to index
      %get3A_87 = tpu.vector_load %arg10[%get3A_86] {strides = array<i32>} : memref<10240xf32, #tpu.memory_space<vmem>>, vector<16xf32>,
      %add3A_88 = arith.addf %add3A_81, %get3A_87 : vector<16xf32>
      %mul3A_89 = arith.constant 16 : i32
      %mul3A_90 = arith.muli %scan3A_64, %mul3A_89 : i32
      %add3A_91 = arith.constant 2560 : i32
      %add3A_92 = arith.addi %add3A_91, %mul3A_90 : i32
      %get3A_93 = arith.index_cast %add3A_92 : i32 to index
      %get3A_94 = tpu.vector_load %arg10[%get3A_93] {strides = array<i32>} : memref<10240xf32, #tpu.memory_space<vmem>>, vector<16xf32>,
      %add3A_95 = arith.addf %add3A_88, %get3A_94 : vector<16xf32>
      %mul3A_96 = arith.constant 16 : i32
      %mul3A_97 = arith.muli %scan3A_64, %mul3A_96 : i32
      %add3A_98 = arith.constant 3200 : i32
      %add3A_99 = arith.addi %add3A_98, %mul3A_97 : i32
      %get3A_100 = arith.index_cast %add3A_99 : i32 to index
      %get3A_101 = tpu.vector_load %arg10[%get3A_100] {strides = array<i32>} : memref<10240xf32, #tpu.memory_space<vmem>>, vector<16xf32>,
      %add3A_102 = arith.addf %add3A_95, %get3A_101 : vector<16xf32>
      %mul3A_103 = arith.constant 16 : i32
      %mul3A_104 = arith.muli %scan3A_64, %mul3A_103 : i32
      %add3A_105 = arith.constant 3840 : i32
      %add3A_106 = arith.addi %add3A_105, %mul3A_104 : i32
      %get3A_107 = arith.index_cast %add3A_106 : i32 to index
      %get3A_108 = tpu.vector_load %arg10[%get3A_107] {strides = array<i32>} : memref<10240xf32, #tpu.memory_space<vmem>>, vector<16xf32>,
      %add3A_109 = arith.addf %add3A_102, %get3A_108 : vector<16xf32>
      %mul3A_110 = arith.constant 16 : i32
      %mul3A_111 = arith.muli %scan3A_64, %mul3A_110 : i32
      %add3A_112 = arith.constant 4480 : i32
      %add3A_113 = arith.addi %add3A_112, %mul3A_111 : i32
      %get3A_114 = arith.index_cast %add3A_113 : i32 to index
      %get3A_115 = tpu.vector_load %arg10[%get3A_114] {strides = array<i32>} : memref<10240xf32, #tpu.memory_space<vmem>>, vector<16xf32>,
      %add3A_116 = arith.addf %add3A_109, %get3A_115 : vector<16xf32>
      %mul3A_117 = arith.constant 16 : i32
      %mul3A_118 = arith.muli %scan3A_64, %mul3A_117 : i32
      %add3A_119 = arith.constant 5120 : i32
      %add3A_120 = arith.addi %add3A_119, %mul3A_118 : i32
      %get3A_121 = arith.index_cast %add3A_120 : i32 to index
      %get3A_122 = tpu.vector_load %arg10[%get3A_121] {strides = array<i32>} : memref<10240xf32, #tpu.memory_space<vmem>>, vector<16xf32>,
      %add3A_123 = arith.addf %add3A_116, %get3A_122 : vector<16xf32>
      %mul3A_124 = arith.constant 16 : i32
      %mul3A_125 = arith.muli %scan3A_64, %mul3A_124 : i32
      %add3A_126 = arith.constant 5760 : i32
      %add3A_127 = arith.addi %add3A_126, %mul3A_125 : i32
      %get3A_128 = arith.index_cast %add3A_127 : i32 to index
      %get3A_129 = tpu.vector_load %arg10[%get3A_128] {strides = array<i32>} : memref<10240xf32, #tpu.memory_space<vmem>>, vector<16xf32>,
      %add3A_130 = arith.addf %add3A_123, %get3A_129 : vector<16xf32>
      %mul3A_131 = arith.constant 16 : i32
      %mul3A_132 = arith.muli %scan3A_64, %mul3A_131 : i32
      %add3A_133 = arith.constant 6400 : i32
      %add3A_134 = arith.addi %add3A_133, %mul3A_132 : i32
      %get3A_135 = arith.index_cast %add3A_134 : i32 to index
      %get3A_136 = tpu.vector_load %arg10[%get3A_135] {strides = array<i32>} : memref<10240xf32, #tpu.memory_space<vmem>>, vector<16xf32>,
      %add3A_137 = arith.addf %add3A_130, %get3A_136 : vector<16xf32>
      %mul3A_138 = arith.constant 16 : i32
      %mul3A_139 = arith.muli %scan3A_64, %mul3A_138 : i32
      %add3A_140 = arith.constant 7040 : i32
      %add3A_141 = arith.addi %add3A_140, %mul3A_139 : i32
      %get3A_142 = arith.index_cast %add3A_141 : i32 to index
      %get3A_143 = tpu.vector_load %arg10[%get3A_142] {strides = array<i32>} : memref<10240xf32, #tpu.memory_space<vmem>>, vector<16xf32>,
      %add3A_144 = arith.addf %add3A_137, %get3A_143 : vector<16xf32>
      %mul3A_145 = arith.constant 16 : i32
      %mul3A_146 = arith.muli %scan3A_64, %mul3A_145 : i32
      %add3A_147 = arith.constant 7680 : i32
      %add3A_148 = arith.addi %add3A_147, %mul3A_146 : i32
      %get3A_149 = arith.index_cast %add3A_148 : i32 to index
      %get3A_150 = tpu.vector_load %arg10[%get3A_149] {strides = array<i32>} : memref<10240xf32, #tpu.memory_space<vmem>>, vector<16xf32>,
      %add3A_151 = arith.addf %add3A_144, %get3A_150 : vector<16xf32>
      %mul3A_152 = arith.constant 16 : i32
      %mul3A_153 = arith.muli %scan3A_64, %mul3A_152 : i32
      %add3A_154 = arith.constant 8320 : i32
      %add3A_155 = arith.addi %add3A_154, %mul3A_153 : i32
      %get3A_156 = arith.index_cast %add3A_155 : i32 to index
      %get3A_157 = tpu.vector_load %arg10[%get3A_156] {strides = array<i32>} : memref<10240xf32, #tpu.memory_space<vmem>>, vector<16xf32>,
      %add3A_158 = arith.addf %add3A_151, %get3A_157 : vector<16xf32>
      %mul3A_159 = arith.constant 16 : i32
      %mul3A_160 = arith.muli %scan3A_64, %mul3A_159 : i32
      %add3A_161 = arith.constant 8960 : i32
      %add3A_162 = arith.addi %add3A_161, %mul3A_160 : i32
      %get3A_163 = arith.index_cast %add3A_162 : i32 to index
      %get3A_164 = tpu.vector_load %arg10[%get3A_163] {strides = array<i32>} : memref<10240xf32, #tpu.memory_space<vmem>>, vector<16xf32>,
      %add3A_165 = arith.addf %add3A_158, %get3A_164 : vector<16xf32>
      %mul3A_166 = arith.constant 16 : i32
      %mul3A_167 = arith.muli %scan3A_64, %mul3A_166 : i32
      %add3A_168 = arith.constant 9600 : i32
      %add3A_169 = arith.addi %add3A_168, %mul3A_167 : i32
      %get3A_170 = arith.index_cast %add3A_169 : i32 to index
      %get3A_171 = tpu.vector_load %arg10[%get3A_170] {strides = array<i32>} : memref<10240xf32, #tpu.memory_space<vmem>>, vector<16xf32>,
      %add3A_172 = arith.addf %add3A_165, %get3A_171 : vector<16xf32>
      %mul3A_173 = arith.constant 16 : i32
      %mul3A_174 = arith.muli %scan3A_64, %mul3A_173 : i32
      %swap3A = arith.index_cast %mul3A_174 : i32 to index
      %swap3A_175 = tpu.vector_load %arg10[%swap3A] {strides = array<i32>} : memref<10240xf32, #tpu.memory_space<vmem>>, vector<16xf32>,
      tpu.vector_store %arg10[%swap3A], %add3A_172 {strides = array<i32>} : memref<10240xf32, #tpu.memory_space<vmem>>, vector<16xf32>,
    }
    %scan3A_54 = arith.constant 40 : i32
    "tpu.region"() ({
      %run_scoped3A_64 = tpu.sem_alloc : memref<!tpu.dma_semaphore, #tpu.memory_space<semaphore_mem>>
      %dma_start3A = arith.constant 0 : i32
      %dma_start3A_65 = tpu.memref_slice %arg10[%dma_start3A] : memref<10240xf32, #tpu.memory_space<vmem>> -> memref<640xf32, #tpu.memory_space<vmem>>
      %dma_start3A_66 = tpu.memref_slice %arg6[%arg0, %mul3A_2] : memref<2x10240xf32, #tpu.memory_space<hbm>> -> memref<1x640xf32, #tpu.memory_space<hbm>>
      %dma_start3A_67 = tpu.memref_squeeze %dma_start3A_66 : memref<1x640xf32, #tpu.memory_space<hbm>> -> memref<640xf32, #tpu.memory_space<hbm>>
      %dma_start3A_68 = tpu.memref_slice %arg6[%arg0, %mul3A_2] : memref<2x10240xf32, #tpu.memory_space<hbm>> -> memref<1x640xf32, #tpu.memory_space<hbm>>
      %dma_start3A_69 = tpu.memref_squeeze %dma_start3A_68 : memref<1x640xf32, #tpu.memory_space<hbm>> -> memref<640xf32, #tpu.memory_space<hbm>>
      %dma_start3A_70 = arith.constant 0 : i32
      %dma_start3A_71 = tpu.memref_slice %arg10[%dma_start3A_70] : memref<10240xf32, #tpu.memory_space<vmem>> -> memref<640xf32, #tpu.memory_space<vmem>>
      tpu.enqueue_dma source(%dma_start3A_71 : memref<640xf32, #tpu.memory_space<vmem>>) target(%dma_start3A_69 : memref<640xf32, #tpu.memory_space<hbm>>) target_semaphore(%run_scoped3A_64 : memref<!tpu.dma_semaphore, #tpu.memory_space<semaphore_mem>>)
      %dma_wait3A = arith.constant 0 : i32
      %dma_wait3A_72 = tpu.memref_slice %arg10[%dma_wait3A] : memref<10240xf32, #tpu.memory_space<vmem>> -> memref<640xf32, #tpu.memory_space<vmem>>
      %dma_wait3A_73 = tpu.memref_slice %arg6[%arg0, %mul3A_2] : memref<2x10240xf32, #tpu.memory_space<hbm>> -> memref<1x640xf32, #tpu.memory_space<hbm>>
      %dma_wait3A_74 = tpu.memref_squeeze %dma_wait3A_73 : memref<1x640xf32, #tpu.memory_space<hbm>> -> memref<640xf32, #tpu.memory_space<hbm>>
      %dma_wait3A_75 = tpu.memref_slice %arg6[%arg0, %mul3A_2] : memref<2x10240xf32, #tpu.memory_space<hbm>> -> memref<1x640xf32, #tpu.memory_space<hbm>>
      %dma_wait3A_76 = tpu.memref_squeeze %dma_wait3A_75 : memref<1x640xf32, #tpu.memory_space<hbm>> -> memref<640xf32, #tpu.memory_space<hbm>>
      %dma_wait3A_77 = arith.constant 0 : i32
      %dma_wait3A_78 = tpu.memref_slice %arg10[%dma_wait3A_77] : memref<10240xf32, #tpu.memory_space<vmem>> -> memref<640xf32, #tpu.memory_space<vmem>>
      tpu.wait_dma2 semaphore(%run_scoped3A_64 : memref<!tpu.dma_semaphore, #tpu.memory_space<semaphore_mem>>) src(%dma_wait3A_78 : memref<640xf32, #tpu.memory_space<vmem>>) dst(%dma_wait3A_76 : memref<640xf32, #tpu.memory_space<hbm>>)
      tpu.yield
    }) : () -> ()
    %mul3A_55 = arith.constant 10240 : i32
    %mul3A_56 = arith.muli %arg0, %mul3A_55 : i32
    %add3A_57 = arith.addi %mul3A_56, %mul3A_2 : i32
    %scan3A_58 = arith.constant 0 : i32
    %scan3A_59 = arith.constant 0 : i32
    %scan3A_60 = arith.constant 5 : i32
    %scan3A_61 = arith.addi %scan3A_59, %scan3A_60 : i32
    %scan3A_62 = arith.constant 1 : i32
    scf.for %scan3A_64 = %scan3A_59 to %scan3A_61 step %scan3A_62  : i32 {
      %mul3A_65 = arith.constant 128 : i32
      %mul3A_66 = arith.muli %scan3A_64, %mul3A_65 : i32
      %add3A_67 = arith.addi %mul3A_2, %mul3A_66 : i32
      %mul3A_68 = arith.constant 128 : i32
      %mul3A_69 = arith.muli %scan3A_64, %mul3A_68 : i32
      %add3A_70 = arith.addi %add3A_57, %mul3A_69 : i32
      "tpu.region"() ({
        %run_scoped3A_71 = tpu.sem_alloc : memref<!tpu.dma_semaphore, #tpu.memory_space<semaphore_mem>>
        %dma_start3A = arith.constant 0 : i32
        %dma_start3A_72 = tpu.memref_slice %arg5[%add3A_70, %dma_start3A] : memref<20480x128xf32, #tpu.memory_space<hbm>> -> memref<128x128xf32, #tpu.memory_space<hbm>>
        %dma_start3A_73 = arith.constant 0 : i32
        %dma_start3A_74 = tpu.memref_slice %arg11[%add3A_67, %dma_start3A_73] : memref<10240x128xf32, #tpu.memory_space<vmem_shared>> -> memref<128x128xf32, #tpu.memory_space<vmem_shared>>
        tpu.enqueue_dma source(%dma_start3A_74 : memref<128x128xf32, #tpu.memory_space<vmem_shared>>) target(%dma_start3A_72 : memref<128x128xf32, #tpu.memory_space<hbm>>) target_semaphore(%run_scoped3A_71 : memref<!tpu.dma_semaphore, #tpu.memory_space<semaphore_mem>>)
        %dma_wait3A = arith.constant 0 : i32
        %dma_wait3A_75 = tpu.memref_slice %arg5[%add3A_70, %dma_wait3A] : memref<20480x128xf32, #tpu.memory_space<hbm>> -> memref<128x128xf32, #tpu.memory_space<hbm>>
        %dma_wait3A_76 = arith.constant 0 : i32
        %dma_wait3A_77 = tpu.memref_slice %arg11[%add3A_67, %dma_wait3A_76] : memref<10240x128xf32, #tpu.memory_space<vmem_shared>> -> memref<128x128xf32, #tpu.memory_space<vmem_shared>>
        tpu.wait_dma2 semaphore(%run_scoped3A_71 : memref<!tpu.dma_semaphore, #tpu.memory_space<semaphore_mem>>) src(%dma_wait3A_77 : memref<128x128xf32, #tpu.memory_space<vmem_shared>>) dst(%dma_wait3A_75 : memref<128x128xf32, #tpu.memory_space<hbm>>)
        tpu.yield
      }) : () -> ()
    }
    %scan3A_63 = arith.constant 5 : i32
    return
  }
}

module attributes {stable_mosaic.version = 14 : i64} {
  func.func @body(%arg0: i32, %arg1: memref<512x128xf32, #tpu.memory_space<vmem>>, %arg2: memref<512x128xf32, #tpu.memory_space<vmem>>, %arg3: memref<512x1xf32, #tpu.memory_space<vmem>>, %arg4: memref<512x1xf32, #tpu.memory_space<vmem>>, %arg5: memref<512x128xf32, #tpu.memory_space<vmem>>, %arg6: memref<128x128xf32, #tpu.memory_space<vmem>>, %arg7: memref<128x128xf32, #tpu.memory_space<vmem>>, %arg8: memref<128x128xf32, #tpu.memory_space<vmem>>, %arg9: memref<1x128xf32, #tpu.memory_space<vmem>>, %arg10: memref<512x128xf32, #tpu.memory_space<vmem>>) attributes {dimension_semantics = [#tpu.dimension_semantics<arbitrary>], iteration_bounds = array<i64: 20>, scalar_prefetch = 0 : i64, scratch_operands = 0 : i64, tpu.core_type = #tpu.core_type<tc>, window_params = [{transform_indices = @transform_0, window_bounds = array<i64: 512, 128>}, {transform_indices = @transform_1, window_bounds = array<i64: 512, 128>}, {transform_indices = @transform_2, window_bounds = array<i64: 512, 1>}, {transform_indices = @transform_3, window_bounds = array<i64: 512, 1>}, {transform_indices = @transform_4, window_bounds = array<i64: 512, 128>}, {pipeline_mode = #tpu.pipeline_mode<synchronous>, transform_indices = @transform_5, window_bounds = array<i64: 128, 128>}, {pipeline_mode = #tpu.pipeline_mode<synchronous>, transform_indices = @transform_6, window_bounds = array<i64: 128, 128>}, {pipeline_mode = #tpu.pipeline_mode<synchronous>, transform_indices = @transform_7, window_bounds = array<i64: 128, 128>}, {pipeline_mode = #tpu.pipeline_mode<synchronous>, transform_indices = @transform_8, window_bounds = array<i64: 1, 128>}, {transform_indices = @transform_9, window_bounds = array<i64: 512, 128>}]} {
    %get3A = arith.constant 0 : index
    %get3A_0 = arith.constant 0 : index
    %get3A_1 = vector.load %arg1[%get3A, %get3A_0] : memref<512x128xf32, #tpu.memory_space<vmem>>, vector<512x128xf32>
    %get3A_2 = arith.constant 0 : index
    %get3A_3 = arith.constant 0 : index
    %get3A_4 = vector.load %arg3[%get3A_2, %get3A_3] : memref<512x1xf32, #tpu.memory_space<vmem>>, vector<512x1xf32>
    %max3A = arith.constant 1.000000e+00 : f32
    %max3A_5 = vector.broadcast %max3A : f32 to vector<512x1xf32>
    %max3A_6 = arith.maximumf %get3A_4, %max3A_5 : vector<512x1xf32>
    %div3A = vector.broadcast %max3A_6 : vector<512x1xf32> to vector<512x128xf32>
    %div3A_7 = arith.divf %get3A_1, %div3A : vector<512x128xf32>
    %get3A_8 = arith.constant 0 : index
    %get3A_9 = arith.constant 0 : index
    %get3A_10 = vector.load %arg2[%get3A_8, %get3A_9] : memref<512x128xf32, #tpu.memory_space<vmem>>, vector<512x128xf32>
    %get3A_11 = arith.constant 0 : index
    %get3A_12 = arith.constant 0 : index
    %get3A_13 = vector.load %arg4[%get3A_11, %get3A_12] : memref<512x1xf32, #tpu.memory_space<vmem>>, vector<512x1xf32>
    %max3A_14 = arith.constant 1.000000e+00 : f32
    %max3A_15 = vector.broadcast %max3A_14 : f32 to vector<512x1xf32>
    %max3A_16 = arith.maximumf %get3A_13, %max3A_15 : vector<512x1xf32>
    %div3A_17 = vector.broadcast %max3A_16 : vector<512x1xf32> to vector<512x128xf32>
    %div3A_18 = arith.divf %get3A_10, %div3A_17 : vector<512x128xf32>
    %get3A_19 = arith.constant 0 : index
    %get3A_20 = arith.constant 0 : index
    %get3A_21 = vector.load %arg6[%get3A_19, %get3A_20] : memref<128x128xf32, #tpu.memory_space<vmem>>, vector<128x128xf32>
    %dot_general3A = arith.constant dense<0.000000e+00> : vector<512x128xf32>
    %dot_general3A_22 = tpu.matmul %div3A_7, %get3A_21, %dot_general3A {dimension_numbers = #tpu.dot_dimension_numbers<[1], [0], [0], [1], [0, 0, 1, 1], [], []>, transpose_lhs_hint = false} : vector<512x128xf32>, vector<128x128xf32>, vector<512x128xf32> -> vector<512x128xf32>
    %get3A_23 = arith.constant 0 : index
    %get3A_24 = arith.constant 0 : index
    %get3A_25 = vector.load %arg7[%get3A_23, %get3A_24] : memref<128x128xf32, #tpu.memory_space<vmem>>, vector<128x128xf32>
    %dot_general3A_26 = arith.constant dense<0.000000e+00> : vector<512x128xf32>
    %dot_general3A_27 = tpu.matmul %div3A_18, %get3A_25, %dot_general3A_26 {dimension_numbers = #tpu.dot_dimension_numbers<[1], [0], [0], [1], [0, 0, 1, 1], [], []>, transpose_lhs_hint = false} : vector<512x128xf32>, vector<128x128xf32>, vector<512x128xf32> -> vector<512x128xf32>
    %add3A = arith.addf %dot_general3A_22, %dot_general3A_27 : vector<512x128xf32>
    %get3A_28 = arith.constant 0 : index
    %get3A_29 = arith.constant 0 : index
    %get3A_30 = vector.load %arg5[%get3A_28, %get3A_29] : memref<512x128xf32, #tpu.memory_space<vmem>>, vector<512x128xf32>
    %get3A_31 = arith.constant 0 : index
    %get3A_32 = arith.constant 0 : index
    %get3A_33 = vector.load %arg8[%get3A_31, %get3A_32] : memref<128x128xf32, #tpu.memory_space<vmem>>, vector<128x128xf32>
    %dot_general3A_34 = arith.constant dense<0.000000e+00> : vector<512x128xf32>
    %dot_general3A_35 = tpu.matmul %get3A_30, %get3A_33, %dot_general3A_34 {dimension_numbers = #tpu.dot_dimension_numbers<[1], [1], [0], [0], [0, 0, 1, 0], [], []>, transpose_lhs_hint = false} : vector<512x128xf32>, vector<128x128xf32>, vector<512x128xf32> -> vector<512x128xf32>
    %add3A_36 = arith.addf %add3A, %dot_general3A_35 : vector<512x128xf32>
    %get3A_37 = arith.constant 0 : index
    %get3A_38 = arith.constant 0 : index
    %get3A_39 = vector.load %arg9[%get3A_37, %get3A_38] : memref<1x128xf32, #tpu.memory_space<vmem>>, vector<1x128xf32>
    %add3A_40 = vector.broadcast %get3A_39 : vector<1x128xf32> to vector<512x128xf32>
    %add3A_41 = arith.addf %add3A_36, %add3A_40 : vector<512x128xf32>
    %swap3A = arith.constant 0 : index
    %swap3A_42 = arith.constant 0 : index
    %swap3A_43 = vector.load %arg10[%swap3A, %swap3A_42] : memref<512x128xf32, #tpu.memory_space<vmem>>, vector<512x128xf32>
    tpu.vector_store %arg10[%swap3A, %swap3A_42], %add3A_41 {strides = array<i32>} : memref<512x128xf32, #tpu.memory_space<vmem>>, vector<512x128xf32>,
    return
  }
  func.func @transform_0(%arg0: i32) -> (i32, i32) {
    %c0_i32 = arith.constant 0 : i32
    %c0_i32_0 = arith.constant 0 : i32
    return %arg0, %c0_i32 : i32, i32
  }
  func.func @transform_1(%arg0: i32) -> (i32, i32) {
    %add3A = arith.constant 20 : i32
    %add3A_0 = arith.addi %arg0, %add3A : i32
    %c0_i32 = arith.constant 0 : i32
    %c0_i32_1 = arith.constant 0 : i32
    return %add3A_0, %c0_i32 : i32, i32
  }
  func.func @transform_2(%arg0: i32) -> (i32, i32) {
    %c0_i32 = arith.constant 0 : i32
    %c0_i32_0 = arith.constant 0 : i32
    return %arg0, %c0_i32 : i32, i32
  }
  func.func @transform_3(%arg0: i32) -> (i32, i32) {
    %c0_i32 = arith.constant 0 : i32
    %c0_i32_0 = arith.constant 0 : i32
    return %arg0, %c0_i32 : i32, i32
  }
  func.func @transform_4(%arg0: i32) -> (i32, i32) {
    %c0_i32 = arith.constant 0 : i32
    %c0_i32_0 = arith.constant 0 : i32
    return %arg0, %c0_i32 : i32, i32
  }
  func.func @transform_5(%arg0: i32) -> (i32, i32) {
    %c0_i32 = arith.constant 0 : i32
    %c0_i32_0 = arith.constant 0 : i32
    %c0_i32_1 = arith.constant 0 : i32
    return %c0_i32, %c0_i32_0 : i32, i32
  }
  func.func @transform_6(%arg0: i32) -> (i32, i32) {
    %c0_i32 = arith.constant 0 : i32
    %c0_i32_0 = arith.constant 0 : i32
    %c0_i32_1 = arith.constant 0 : i32
    return %c0_i32, %c0_i32_0 : i32, i32
  }
  func.func @transform_7(%arg0: i32) -> (i32, i32) {
    %c0_i32 = arith.constant 0 : i32
    %c0_i32_0 = arith.constant 0 : i32
    %c0_i32_1 = arith.constant 0 : i32
    return %c0_i32, %c0_i32_0 : i32, i32
  }
  func.func @transform_8(%arg0: i32) -> (i32, i32) {
    %c0_i32 = arith.constant 0 : i32
    %c0_i32_0 = arith.constant 0 : i32
    %c0_i32_1 = arith.constant 0 : i32
    return %c0_i32, %c0_i32_0 : i32, i32
  }
  func.func @transform_9(%arg0: i32) -> (i32, i32) {
    %c0_i32 = arith.constant 0 : i32
    %c0_i32_0 = arith.constant 0 : i32
    return %arg0, %c0_i32 : i32, i32
  }
}

</mosaic_0001>

<sc_bundles>
// kernel: kernel.4.cloned.1.call-start
scs
__scs_entry_jumppad:
0x0: {  	(pc) =	sbr.rel $0x88, $3  }
0x1: {  	(tag) =	ssettag $0x0;
	lr =	simm.s32 $0x1  }
0x2: {  	[smem:$0x3F9A] =	sst lr;
	_ =	strace $0xD0000000  }
0x3: {  	_ = 	snop  }
0x4: {  	_ = 	snop  }
0x5: {  	_ = 	snop  }
0x6: {  	_ = 	snop  }
0x7: {  	_ = 	snop  }
__scs_overlays_trampoline_lowered:
0x8: {  	[smem:$0x3FA9] =	sst s0  }
0x9: {  	[smem:$0x3FAA] =	sst s1  }
0xa: {  	[smem:$0x3FAB] =	sst s2  }
0xb: {  	[smem:$0x3FAC] =	sst s3  }
0xc: {  	[smem:$0x3FAD] =	sst s4  }
0xd: {  	[smem:$0x3FAE] =	sst s5  }
0xe: {  	[smem:$0x3FAF] =	sst s6  }
0xf: {  	[smem:$0x3FB0] =	sst s7  }
0x10: {  	[smem:$0x3FB1] =	sst s8  }
0x11: {  	[smem:$0x3FB2] =	sst s9;
	s0 =	simm.s32 @!p0 $0x0  }
0x12: {  	s1 =	sld [smem:$0x3F98];
	s0 =	simm.s32 @p0 $0x1  }
0x13: {  	[smem:$0x3FB3] =	sst s0;
	s0 =	simm.s32 @!p1 $0x0  }
0x14: {  	s2 =	sld [smem:$0x3F97];
	s0 =	simm.s32 @p1 $0x1  }
0x15: {  	[smem:$0x3FB4] =	sst s0;
	s0 =	simm.s32 @!p2 $0x0  }
0x16: {  	s3 =	sld [smem:$0x3FDB];
	s0 =	simm.s32 @p2 $0x1  }
0x17: {  	s4 =	simm.s32 $0x1BF5;
	[smem:$0x3FB6] =	sst s0  }
0x18: {  	s0 =	sld [smem:$0x3F99];
	_ =	swait.ge [sflag:s4], $0x0  }
0x19: {  	s7 =	sld [smem:$0x3F9A]  }
0x1a: {  	s8 =	sadd.s32 $0xFFFFE003, lr  }
0x1b: {  	s9 =	sadd.s32 $0xFFFFFEF7, lr;
	s5 =	simm.s32 $0xFFFFFFFF;
	p2 =	slt.u32 s8, $0xFFFFF086  }
0x1c: {  	p1 =	slt.u32 s9, $0xF7A;
	s5 =	simm.s32 @!p2 $0x0  }
0x1d: {  	s5 =	simm.s32 @p1 $0x1;
	p0 =	seq.s32 s7, s2  }
0x1e: {  	s7 =	smul.u32 @!p0 $0xF7A, s2;
	p2 =	seq.s32 @!p0 s5, $0x0  }
0x1f: {  	s9 =	smul.u32 $0xF7A, s1;
	s8 =	simm.s32 @!p0 $0x1BF5;
	p2 =	por !p2, p0  }
0x20: {  	[sflag:s8] =	ssyncset.s32 @!p0 $0xFFFFF086;
	s6 =	sadd.s32 @!p0 s3, s7;
	s7 =	simm.s32 @!p0 $0x108  }
0x21: {  	s3 =	sadd.s32 s3, s9;
	s6 =	sadd.s32 @!p0 $0x88, s6;
	s7 =	simm.s32 @p2 $0x1082  }
0x22: {  	[simem:s7], [sflag:s8] =	dma.local @!p0 [hbm:s6], $0xF7A  }
0x23: {  	s9 =	sor.u32 $0xD0000000, s2;
	s6 =	simm.s32 $0x108;
	_ =	swait.ge @!p0 [sflag:s8], $0x0  }
0x24: {  	s3 =	sadd.s32 $0x88, s3;
	s6 =	simm.s32 @!p1 $0x1082;
	[sflag:s4] =	ssyncset.s32 $0xFFFFF086  }
0x25: {  	[simem:s6], [sflag:s4] =	dma.local [hbm:s3], $0xF7A  }
0x26: {  	[smem:$0x3F9A] =	sst s1;
	(tag) =	ssettag s2;
	_ =	strace s9  }
0x27: {  	s1 =	sld [smem:$0x3FAA]  }
0x28: {  	s2 =	sld [smem:$0x3FAB]  }
0x29: {  	s4 =	sld [smem:$0x3FAD]  }
0x2a: {  	p0 =	seq.s32 s5, $0x0;
	s5 =	sld [smem:$0x3FAE]  }
0x2b: {  	s6 =	sld [smem:$0x3FAF]  }
0x2c: {  	s7 =	sld [smem:$0x3FB0]  }
0x2d: {  	s3 =	simm.s32 $0x108;
	s8 =	sld [smem:$0x3FB1]  }
0x2e: {  	s3 =	simm.s32 @!p0 $0x1082;
	s9 =	sld [smem:$0x3FB2]  }
0x2f: {  	lr =	sadd.s32 s0, s3;
	s0 =	sld [smem:$0x3FA9]  }
0x30: {  	s3 =	sld [smem:$0x3FAC]  }
0x31: {  	[smem:$0x3FB5] =	sst s10  }
0x32: {  	s10 =	sld [smem:$0x3FB3];
	_ =	sdelay $0x3  }
0x33: {  	p0 =	seq.s32 s10, $0x1;
	s10 =	sld [smem:$0x3FB5];
	_ =	sdelay $0x3  }
0x34: {  	[smem:$0x3FB5] =	sst s10  }
0x35: {  	s10 =	sld [smem:$0x3FB4];
	_ =	sdelay $0x3  }
0x36: {  	p1 =	seq.s32 s10, $0x1;
	s10 =	sld [smem:$0x3FB5];
	_ =	sdelay $0x3  }
0x37: {  	[smem:$0x3FB5] =	sst s10  }
0x38: {  	s10 =	sld [smem:$0x3FB6]  }
0x39: {  	_ = 	snop;
	(pc) =	sbr.ind lr, $3  }
0x3a: {  	_ = 	snop  }
0x3b: {  	_ = 	snop  }
0x3c: {  	p2 =	seq.s32 s10, $0x1;
	s10 =	sld [smem:$0x3FB5]  }
0x3d: {  	_ =	shalt  }
0x3e: {  	_ =	shalt  }
0x3f: {  	_ =	shalt  }
0x40: {  	_ =	shalt  }
0x41: {  	_ =	shalt  }
0x42: {  	_ =	shalt  }
0x43: {  	_ =	shalt  }
0x44: {  	_ =	shalt  }
0x45: {  	_ =	shalt  }
0x46: {  	_ =	shalt  }
0x47: {  	_ =	shalt  }
0x48: {  	_ =	shalt  }
0x49: {  	_ =	shalt  }
0x4a: {  	_ =	shalt  }
0x4b: {  	_ =	shalt  }
0x4c: {  	_ =	shalt  }
0x4d: {  	_ =	shalt  }
0x4e: {  	_ =	shalt  }
0x4f: {  	_ =	shalt  }
0x50: {  	_ =	shalt  }
0x51: {  	_ =	shalt  }
0x52: {  	_ =	shalt  }
0x53: {  	_ =	shalt  }
0x54: {  	_ =	shalt  }
0x55: {  	_ =	shalt  }
0x56: {  	_ =	shalt  }
0x57: {  	_ =	shalt  }
0x58: {  	_ =	shalt  }
0x59: {  	_ =	shalt  }
0x5a: {  	_ =	shalt  }
0x5b: {  	_ =	shalt  }
0x5c: {  	_ =	shalt  }
0x5d: {  	_ =	shalt  }
0x5e: {  	_ =	shalt  }
0x5f: {  	_ =	shalt  }
0x60: {  	_ =	shalt  }
0x61: {  	_ =	shalt  }
0x62: {  	_ =	shalt  }
0x63: {  	_ =	shalt  }
0x64: {  	_ =	shalt  }
0x65: {  	_ =	shalt  }
0x66: {  	_ =	shalt  }
0x67: {  	_ =	shalt  }
0x68: {  	_ =	shalt  }
0x69: {  	_ =	shalt  }
0x6a: {  	_ =	shalt  }
0x6b: {  	_ =	shalt  }
0x6c: {  	_ =	shalt  }
0x6d: {  	_ =	shalt  }
0x6e: {  	_ =	shalt  }
0x6f: {  	_ =	shalt  }
0x70: {  	_ =	shalt  }
0x71: {  	_ =	shalt  }
0x72: {  	_ =	shalt  }
0x73: {  	_ =	shalt  }
0x74: {  	_ =	shalt  }
0x75: {  	_ =	shalt  }
0x76: {  	_ =	shalt  }
0x77: {  	_ =	shalt  }
0x78: {  	_ =	shalt  }
0x79: {  	_ =	shalt  }
0x7a: {  	_ =	shalt  }
0x7b: {  	_ =	shalt  }
0x7c: {  	_ =	shalt  }
0x7d: {  	_ =	shalt  }
0x7e: {  	_ =	shalt  }
0x7f: {  	_ =	shalt  }
0x80: {  	_ =	shalt  }
0x81: {  	_ =	shalt  }
0x82: {  	_ =	shalt  }
0x83: {  	_ =	shalt  }
0x84: {  	_ =	shalt  }
0x85: {  	_ =	shalt  }
0x86: {  	_ =	shalt  }
0x87: {  	_ =	shalt  }
.Lfunc_end0:
.L_simem_size_0:
called_computation_lowered:
.L_overlay_start_0:
0x88: {  	s2 =	sld [smem:$0x3FD9]  }
0x89: {  	s3 =	sld [smem:$0x3FFE];
	_ =	sdelay $0x1  }
0x8a: {  	s1 =	srdreg.scid  }
0x8b: {  	s0 =	sand.u32 $0x1, s1  }
0x8c: {  	s18 =	sshll.u32 s0, $0xA;
	s2 =	sadd.s32 s3, s2  }
0x8d: {  	s3 =	sadd.s32 s2, s18  }
0x8e: {  	[smem:$0x3FC1] =	sst s3  }
0x8f: {  	_ = 	snop  }
0x90: {  	s3 =	sld [smem:$0x3FC9]  }
0x91: {  	s4 =	sld [smem:$0x3FD0];
	(tm) =	ssettm $0x1  }
0x92: {  	s5 =	sld [smem:$0x3FFB];
	_ =	sdelay $0x3  }
0x93: {  	_ =	strace s5  }
0x94: {  	s5 =	sld [smem:$0x3FFC];
	_ =	sdelay $0x3  }
0x95: {  	_ =	strace s5  }
0x96: {  	s5 =	sld [smem:$0x3FFD];
	_ =	sdelay $0x3  }
0x97: {  	_ =	strace s5  }
0x98: {  	_ =	strace $0x8FFFFFFF  }
0x99: {  	s19 =	sld [smem:$0x3FDB];
	_ =	sdelay $0x1  }
0x9a: {  	s6 =	simm.s32 $_scs_section_size  }
0x9b: {  	s7 =	simm.s32 $_size__tile_overlayer_lowered;
	s8 =	simm.s32 $_tile_overlayer_lowered  }
0x9c: {  	s22 =	simm.s32 $0x1BFF;
	s21 =	sshll.u32 s8, $0x1;
	s5 =	sadd.s32 s6, s19  }
0x9d: {  	s9 =	simm.s32 $0x0;
	s20 =	sshll.u32 s7, $0x1;
	s7 =	sadd.s32 s21, s5  }
0x9e: {  	[timem:s9], [sflag:s22] =	dma.local [hbm:s7], s20  }
0x9f: {  	_ =	swait.ge [sflag:s22], s20  }
0xa0: {  	s6 =	ssub.s32 $0x0, s20;
	[sflag:s22] =	ssyncset.done $0x0  }
0xa1: {  	[sflag:s22] =	ssyncadd.s32 s6;
	_ =	sdelay $0x1  }
0xa2: {  	s23 =	simm.s32 $0x1B8B  }
0xa3: {  	_ =	swait.ge [sflag:s23], $0x1  }
0xa4: {  	[sflag:s23] =	ssyncset.done $0x0  }
0xa5: {  	s25 =	simm.s32 $0x1B8E;
	s24 =	sld [smem:$0x3FFE];
	[sflag:s23] =	ssyncadd.s32 $0xFFFFFFFF  }
0xa6: {  	s26 =	simm.s32 $execute0_lowered;
	[smem:$0x3FD2] =	sst s25  }
0xa7: {  	s7 =	sshll.u32 s26, $0x1;
	_ =	strace $0x80000046;
	[dreg:$0x1] =	wrdreg $0xFFFFFFFF  }
0xa8: {  	s28 =	simm.s32 $_size_execute0_lowered;
	s5 =	sadd.s32 s5, s7;
	[dreg:$0x0] =	wrdreg $0x0  }
0xa9: {  	s7 =	sshll.u32 s28, $0x1;
	[dreg:$0x2] =	wrdreg s5  }
0xaa: {  	[dreg:$0x3] =	wrdreg s7  }
0xab: {  	[dreg:$0x4] =	wrdreg $0xC0  }
0xac: {  	_ =	task [dreg:s9], $0x5FFFF  }
0xad: {  	[dreg:$0x1] =	wrdreg $0xFFFFFFFF  }
0xae: {  	[dreg:$0x0] =	wrdreg $0x60  }
0xaf: {  	[dreg:$0x2] =	wrdreg s3  }
0xb0: {  	[dreg:$0x3] =	wrdreg s4  }
0xb1: {  	[dreg:$0x4] =	wrdreg s24  }
0xb2: {  	s2 =	sadd.s32 $0x800, s2;
	[dreg:$0x5] =	wrdreg $0xB7000  }
0xb3: {  	[dreg:$0x6] =	wrdreg s2  }
0xb4: {  	[dreg:$0x7] =	wrdreg $0x9  }
0xb5: {  	_ =	task.clear_ibuf [dreg:s9], $0x8FFFF;
	_ =	strace $0x90000046  }
0xb6: {  	s29 =	simm.s32 $0x9;
	_ =	strace $0x80000048  }
0xb7: {  	_ =	swait.ge [sflag:s29], $0x1  }
0xb8: {  	[sflag:s29] =	ssyncadd.s32 $0xFFFFFFFF  }
0xb9: {  	_ =	strace $0x90000048  }
0xba: {  	_ =	sfence  }
0xbb: {  	s30 =	sld [smem:$0x0];
	_ =	sdelay $0x2  }
0xbc: {  	s31 =	sshll.u32 s1, $0xD;
	s1 =	sshrl.u32 s1, $0x2  }
0xbd: {  	s3 =	sand.u32 $0x4000, s31;
	s1 =	sadd.s32 s1, s30  }
0xbe: {  	s0 =	sor.u32 s3, s0;
	s1 =	sshll.u32 s1, $0x11  }
0xbf: {  	s0 =	sor.u32 s1, s0  }
0xc0: {  	s0 =	sadd.s32 $0x8F2B, s0  }
0xc1: {  	[sflag:s0] =	ssyncadd.remote.s32 $0x1  }
0xc2: {  	_ =	sfence.sel $0xFFFF  }
0xc3: {  	[dreg:$0x0] =	wrdreg $0xFFFFFFFF;
	(pc) =	sbr.abs _section_cstart, $3  }
0xc4: {  	[dreg:$0x1] =	wrdreg $0xFFFFFFFF  }
0xc5: {  	_ =	task.clear_ibuf [dreg:s9], $0x2FFFF;
	_ =	strace $0x9FFFFFFF  }
0xc6: {  	(tm) =	ssettm $0x7FFFFFFF  }
0xc7: {  	_ =	shalt  }
tec
execute0_lowered:
.L_overlay_start_1:
0x0: {  	(tag) =	ssettag $0x1  }
0x1: {  	s1 =	rddreg [dreg:$0x0]  }
0x2: {  	s0 =	rddreg [dreg:$0x1]  }
0x3: {  	s2 =	srdreg.scid;
	s13 =	stileid.u32  }
0x4: {  	s4 =	rddreg [dreg:$0x2];
	s7 =	smul.u32 $0x280, s13  }
0x5: {  	s3 =	rddreg [dreg:$0x3];
	s2 =	sand.u32 $0x1, s2;
	s24 =	smul.u32 $0x50000, s13  }
0x6: {  	s17 =	rddreg [dreg:$0x4];
	s5 =	sshll.u32 s2, $0x4;
	s8 =	smul.u32 $0x2800, s2  }
0x7: {  	s25 =	ssub.s32 $0x2, s2;
	s2 =	smul.u32 $0x28000, s2;
	s6 =	sor.u32 s13, s5  }
0x8: {  	s5 =	simm.s32 $0x0;
	s12 =	sshrl.u32 s25, $0x1;
	s13 =	smul.u32 $0x2800, s13  }
0x9: {  	s9 =	smul.u32 $0x4F0, s6;
	[smem:$0x7FF] =	sst s5;
	s23 =	sadd.s32 s7, s8  }
0xa: {  	s12 =	ssub.s32 s25, s12;
	s7 =	sor.u32 s7, s2;
	_ =	strace $0x80000047  }
0xb: {  	s8 =	sshll.u32 s23, $0x4;
	s6 =	sshrl.u32 s23, $0x3;
	s26 =	sadd.s32 s13, s2  }
0xc: {  	s22 =	smax.u32 s12, $0x1;
	s10 =	sadd.s32 s9, s4;
	s11 =	sadd.s32 s8, s4  }
0xd: {  	s8 =	sshrl.u32 s24, $0x2;
	s0 =	sadd.s32 s0, s9;
	[dreg:$0xa] =	wrdreg s22  }
0xe: {  	s4 =	sadd.s32 s6, s4;
	s6 =	sadd.s32 s8, s3;
	[dreg:$0x6] =	wrdreg s0  }
0xf: {  	s8 =	sshrl.u32 s7, $0x3;
	s9 =	sadd.s32 $0xA00, s10;
	s0 =	sshrl.u32 s26, $0x3  }
0x10: {  	s4 =	sadd.s32 $0xA800, s4;
	s21 =	sadd.s32 $0xB200, s11;
	[dreg:$0x7] =	wrdreg s9  }
0x11: {  	s23 =	sadd.s32 $0xBA00, s11;
	s24 =	sadd.s32 $0xC200, s11;
	[dreg:$0x8] =	wrdreg s4  }
0x12: {  	s25 =	sadd.s32 $0xCA00, s11;
	s26 =	sadd.s32 $0xD200, s11;
	[dreg:$0x9] =	wrdreg s21  }
0x13: {  	s10 =	sadd.s32 $0x500, s8;
	s7 =	sadd.s32 $0xA00, s8;
	[dreg:$0xb] =	wrdreg s23  }
0x14: {  	s13 =	sadd.s32 $0xF00, s8;
	s18 =	sadd.s32 $0x1400, s8;
	[dreg:$0xc] =	wrdreg s24  }
0x15: {  	s19 =	sadd.s32 $0x1900, s8;
	s14 =	sadd.s32 $0x1E00, s8;
	[dreg:$0xd] =	wrdreg s25  }
0x16: {  	s15 =	sadd.s32 $0x2300, s8;
	s16 =	sadd.s32 $0x2800, s8;
	[dreg:$0xe] =	wrdreg s26  }
0x17: {  	s0 =	sadd.s32 s0, s17;
	s12 =	sadd.s32 $0x2D00, s8;
	s9 =	sadd.s32 $0xC000, s6  }
0x18: {  	[dreg:$0xf] =	wrdreg s0;
	s4 =	sadd.s32 s10, s17;
	s11 =	sadd.s32 s7, s17  }
0x19: {  	s20 =	sadd.s32 s13, s17;
	s21 =	sadd.s32 s18, s17;
	s22 =	sadd.s32 s19, s17  }
0x1a: {  	s23 =	sadd.s32 s14, s17;
	s24 =	sadd.s32 s15, s17;
	s25 =	sadd.s32 s16, s17  }
0x1b: {  	s26 =	sadd.s32 s12, s17;
	s13 =	sadd.s32 $0x3200, s8;
	s14 =	sadd.s32 $0x3700, s8  }
0x1c: {  	s15 =	sadd.s32 $0x3C00, s8;
	s16 =	sadd.s32 $0x4100, s8;
	s18 =	sadd.s32 $0x4600, s8  }
0x1d: {  	s19 =	sadd.s32 $0x4B00, s8;
	s7 =	sadd.s32 $0x8000, s6;
	[dreg:$0x10] =	wrdreg s4  }
0x1e: {  	s10 =	sadd.s32 $0x10000, s6;
	s12 =	simm.s32 $0x2;
	[dreg:$0x11] =	wrdreg s11  }
0x1f: {  	s28 =	sadd.s32 s13, s17;
	s29 =	sadd.s32 s14, s17;
	s30 =	sadd.s32 s15, s17  }
0x20: {  	s31 =	sadd.s32 s16, s17;
	s2 =	sadd.s32 s18, s17;
	s0 =	sadd.s32 s19, s17  }
0x21: {  	s4 =	sadd.s32 $0x4000, s6;
	s11 =	simm.s32 $0x4F00;
	s13 =	simm.s32 $0x80  }
0x22: {  	v0 =	vimm.f32 $0.0e+00;
	v1 =	vimm.f32 $1.000000000e+00;
	s14 =	simm.s32 $0x1;
	s15 =	simm.s32 $0x8F00;
	s16 =	simm.s32 $0x0  }
.LBB2_1:
0x23: {  	s17 =	simm.s32 $0x0;
	s18 =	simm.s32 $0x200  }
.LBB2_2:
0x24: {  	p0 =	sne.s32 s18, $0xFE00;
	[tilespmem:s17+$0x4F70] =	vst v0  }
0x25: {  	[tilespmem:s17+$0x4F00] =	vst v0  }
0x26: {  	[tilespmem:s17+$0x4F10] =	vst v0  }
.Ltmp0:
0x27: {  	[tilespmem:s17+$0x4F20] =	vst v0;
	(pc) =	sbr.rel @p0 .LBB2_2-.Ltmp0, $4  }
0x28: {  	[tilespmem:s17+$0x4F30] =	vst v0  }
0x29: {  	[tilespmem:s17+$0x4F40] =	vst v0  }
0x2a: {  	[tilespmem:s17+$0x4F50] =	vst v0  }
0x2b: {  	[tilespmem:s17+$0x4F60] =	vst v0;
	s17 =	sshra.s32 s18, $0x2;
	s18 =	sadd.s32 $0x200, s18  }
0x2c: {  	[tilespmem:s17+$0x4F70] =	vst v0  }
0x2d: {  	[tilespmem:s17+$0x4F00] =	vst v0  }
0x2e: {  	[tilespmem:s17+$0x4F10] =	vst v0  }
0x2f: {  	[tilespmem:s17+$0x4F20] =	vst v0  }
0x30: {  	[tilespmem:s17+$0x4F30] =	vst v0  }
0x31: {  	[tilespmem:s17+$0x4F40] =	vst v0  }
0x32: {  	[tilespmem:s17+$0x4F50] =	vst v0  }
0x33: {  	[tilespmem:s17+$0x4F60] =	vst v0;
	s17 =	simm.s32 $0x40;
	s18 =	simm.s32 $0x0  }
.LBB2_4:
0x34: {  	p0 =	sne.s32 s17, $0x9FC0;
	[tilespmem:s18+$0x8F00] =	vst v0;
	s18 =	smov.u32 s17;
	s17 =	sadd.s32 $0x40, s17  }
.Ltmp1:
0x35: {  	(pc) =	sbr.rel @p0 .LBB2_4-.Ltmp1, $2  }
0x36: {  	_ =	sdelay $0x2  }
0x37: {  	s18 =	sshra.s32 s18, $0x2  }
0x38: {  	[tilespmem:s18+$0x8F00] =	vst v0  }
0x39: {  	[spmem:s6] =	stream.linear.scatter [tilespmem:s11], [sflag:$0x2], $0x4000, $0x38;
	[tilespmem:$0x1F700] =	vst v63  }
0x3a: {  	_ =	swait.ge [sflag:s12], $0x4000  }
0x3b: {  	[sflag:s12] =	ssyncset.done $0x0  }
0x3c: {  	[sflag:s12] =	ssyncadd.s32 $0xFFFFC000  }
0x3d: {  	[spmem:s4] =	stream.linear.scatter [tilespmem:s11], [sflag:$0x2], $0x4000, $0x38;
	[tilespmem:$0x1F700] =	vst v63  }
0x3e: {  	_ =	swait.ge [sflag:s12], $0x4000  }
0x3f: {  	[sflag:s12] =	ssyncset.done $0x0  }
0x40: {  	[sflag:s12] =	ssyncadd.s32 $0xFFFFC000  }
0x41: {  	[spmem:s7] =	stream.linear.scatter [tilespmem:s11], [sflag:$0x2], $0x4000, $0x38;
	[tilespmem:$0x1F700] =	vst v63  }
0x42: {  	_ =	swait.ge [sflag:s12], $0x4000  }
0x43: {  	[sflag:s12] =	ssyncset.done $0x0  }
0x44: {  	[sflag:s12] =	ssyncadd.s32 $0xFFFFC000  }
0x45: {  	[spmem:s9] =	stream.linear.scatter [tilespmem:s11], [sflag:$0x2], $0x4000, $0x38;
	[tilespmem:$0x1F700] =	vst v63  }
0x46: {  	_ =	swait.ge [sflag:s12], $0x4000  }
0x47: {  	[sflag:s12] =	ssyncset.done $0x0  }
0x48: {  	[sflag:s12] =	ssyncadd.s32 $0xFFFFC000  }
0x49: {  	[spmem:s10] =	stream.linear.scatter [tilespmem:s11], [sflag:$0x2], $0x4000, $0x38;
	[tilespmem:$0x1F700] =	vst v63  }
0x4a: {  	_ =	swait.ge [sflag:s12], $0x4000  }
0x4b: {  	[sflag:s12] =	ssyncset.done $0x0  }
0x4c: {  	[sflag:s12] =	ssyncadd.s32 $0xFFFFC000  }
0x4d: {  	[bflag:$0x0] =	sbarrier.arrive $0xFFFF  }
0x4e: {  	s17 =	simm.s32 $0x0;
	s19 =	rddreg [dreg:$0x6]  }
0x4f: {  	[tilespmem:s17], [sflag:$0x2] =	stream.linear.gather [hbm4b:s19+s17], $0x2780, $0x38;
	[tilespmem:$0x1F700] =	vst v63  }
0x50: {  	_ =	swait.ge [sflag:s12], $0x2780  }
0x51: {  	[sflag:s12] =	ssyncset.done $0x0  }
0x52: {  	s19 =	simm.s32 $0x2780;
	s18 =	rddreg [dreg:$0x7];
	[sflag:s12] =	ssyncadd.s32 $0xFFFFD880  }
0x53: {  	[tilespmem:s19], [sflag:$0x2] =	stream.linear.gather [hbm4b:s18+s17], $0x2780, $0x38;
	[tilespmem:$0x1F700] =	vst v63  }
0x54: {  	_ =	swait.ge [sflag:s12], $0x2780  }
0x55: {  	[sflag:s12] =	ssyncset.done $0x0  }
0x56: {  	[sflag:s12] =	ssyncadd.s32 $0xFFFFD880  }
.LBB2_6:
0x57: {  	s18 =	sshra.s32 s17, $0x2  }
0x58: {  	[tilespmem:s11], [sflag:$0x1] =	stream.indirect.gather [hbm4b:s1+s13], $0x80, s18, s13, $0xb8;
	[tilespmem:$0x1F700] =	vst v63  }
0x59: {  	_ =	swait.ge [sflag:s14], $0x4000  }
0x5a: {  	[sflag:s14] =	ssyncset.done $0x0  }
0x5b: {  	s19 =	sadd.s32 $0x2780, s18;
	[sflag:s14] =	ssyncadd.s32 $0xFFFFC000  }
0x5c: {  	[spmem:s3] =	stream.indirect.scatter.add.f32 [tilespmem:s11], [sflag:$0x2], $0x80, s19, s13, $0xb8;
	[tilespmem:$0x1F700] =	vst v63  }
0x5d: {  	_ =	swait.ge [sflag:s12], $0x4000  }
0x5e: {  	[sflag:s12] =	ssyncset.done $0x0  }
0x5f: {  	[sflag:s12] =	ssyncadd.s32 $0xFFFFC000  }
0x60: {  	v2 =	vld [tilespmem:s18+$0x2780];
	_ =	sdelay $0x7  }
0x61: {  	[tilespmem:v2+s15+$0x0] =	vst.idx.add.f32.msk $0xffff, v1  }
0x62: {  	v2 =	vld [tilespmem:s18+$0x2790];
	_ =	sdelay $0x7  }
0x63: {  	[tilespmem:v2+s15+$0x0] =	vst.idx.add.f32.msk $0xffff, v1  }
0x64: {  	v2 =	vld [tilespmem:s18+$0x27A0];
	_ =	sdelay $0x7  }
0x65: {  	[tilespmem:v2+s15+$0x0] =	vst.idx.add.f32.msk $0xffff, v1  }
0x66: {  	v2 =	vld [tilespmem:s18+$0x27B0];
	_ =	sdelay $0x7  }
0x67: {  	[tilespmem:v2+s15+$0x0] =	vst.idx.add.f32.msk $0xffff, v1  }
0x68: {  	v2 =	vld [tilespmem:s18+$0x27C0];
	_ =	sdelay $0x7  }
0x69: {  	[tilespmem:v2+s15+$0x0] =	vst.idx.add.f32.msk $0xffff, v1  }
0x6a: {  	v2 =	vld [tilespmem:s18+$0x27D0];
	_ =	sdelay $0x7  }
0x6b: {  	[tilespmem:v2+s15+$0x0] =	vst.idx.add.f32.msk $0xffff, v1  }
0x6c: {  	v2 =	vld [tilespmem:s18+$0x27E0];
	_ =	sdelay $0x7  }
0x6d: {  	[tilespmem:v2+s15+$0x0] =	vst.idx.add.f32.msk $0xffff, v1  }
0x6e: {  	v2 =	vld [tilespmem:s18+$0x27F0];
	_ =	sdelay $0x2  }
0x6f: {  	p0 =	sne.s32 s17, $0x9C00  }
.Ltmp2:
0x70: {  	_ = 	snop;
	(pc) =	sbr.rel @p0 .LBB2_6-.Ltmp2, $2  }
0x71: {  	_ =	sdelay $0x2  }
0x72: {  	s17 =	sadd.s32 $0x200, s17;
	[tilespmem:v2+s15+$0x0] =	vst.idx.add.f32.msk $0xffff, v1  }
0x73: {  	s17 =	rddreg [dreg:$0xf]  }
0x74: {  	[hbm4b:s17+s5] =	stream.linear.scatter [tilespmem:s15], [sflag:$0x2], $0x2800, $0x38;
	[tilespmem:$0x1F700] =	vst v63  }
0x75: {  	_ =	swait.ge [sflag:s12], $0x2800  }
0x76: {  	[sflag:s12] =	ssyncset.done $0x0  }
0x77: {  	[sflag:s12] =	ssyncadd.s32 $0xFFFFD800  }
0x78: {  	[bflag:$0x0] =	sbarrier.arrive $0xFFFF  }
0x79: {  	s18 =	rddreg [dreg:$0x4]  }
0x7a: {  	s17 =	sadd.s32 s8, s18  }
0x7b: {  	[tilespmem:s15], [sflag:$0x2] =	stream.linear.gather [hbm4b:s17+s5], $0x280, $0x38;
	[tilespmem:$0x1F700] =	vst v63  }
0x7c: {  	_ =	swait.ge [sflag:s12], $0x280  }
0x7d: {  	[sflag:s12] =	ssyncset.done $0x0  }
0x7e: {  	s18 =	simm.s32 $0x9180;
	s19 =	rddreg [dreg:$0x10];
	[sflag:s12] =	ssyncadd.s32 $0xFFFFFD80  }
0x7f: {  	[tilespmem:s18], [sflag:$0x2] =	stream.linear.gather [hbm4b:s19+s5], $0x280, $0x38;
	[tilespmem:$0x1F700] =	vst v63  }
0x80: {  	_ =	swait.ge [sflag:s12], $0x280  }
0x81: {  	[sflag:s12] =	ssyncset.done $0x0  }
0x82: {  	s19 =	simm.s32 $0x9400;
	s18 =	rddreg [dreg:$0x11];
	[sflag:s12] =	ssyncadd.s32 $0xFFFFFD80  }
0x83: {  	[tilespmem:s19], [sflag:$0x2] =	stream.linear.gather [hbm4b:s18+s5], $0x280, $0x38;
	[tilespmem:$0x1F700] =	vst v63  }
0x84: {  	_ =	swait.ge [sflag:s12], $0x280  }
0x85: {  	[sflag:s12] =	ssyncset.done $0x0  }
0x86: {  	s19 =	simm.s32 $0x9680;
	[sflag:s12] =	ssyncadd.s32 $0xFFFFFD80  }
0x87: {  	[tilespmem:s19], [sflag:$0x2] =	stream.linear.gather [hbm4b:s20+s5], $0x280, $0x38;
	[tilespmem:$0x1F700] =	vst v63  }
0x88: {  	_ =	swait.ge [sflag:s12], $0x280  }
0x89: {  	[sflag:s12] =	ssyncset.done $0x0  }
0x8a: {  	s18 =	simm.s32 $0x9900;
	[sflag:s12] =	ssyncadd.s32 $0xFFFFFD80  }
0x8b: {  	[tilespmem:s18], [sflag:$0x2] =	stream.linear.gather [hbm4b:s21+s5], $0x280, $0x38;
	[tilespmem:$0x1F700] =	vst v63  }
0x8c: {  	_ =	swait.ge [sflag:s12], $0x280  }
0x8d: {  	[sflag:s12] =	ssyncset.done $0x0  }
0x8e: {  	s19 =	simm.s32 $0x9B80;
	[sflag:s12] =	ssyncadd.s32 $0xFFFFFD80  }
0x8f: {  	[tilespmem:s19], [sflag:$0x2] =	stream.linear.gather [hbm4b:s22+s5], $0x280, $0x38;
	[tilespmem:$0x1F700] =	vst v63  }
0x90: {  	_ =	swait.ge [sflag:s12], $0x280  }
0x91: {  	[sflag:s12] =	ssyncset.done $0x0  }
0x92: {  	s18 =	simm.s32 $0x9E00;
	[sflag:s12] =	ssyncadd.s32 $0xFFFFFD80  }
0x93: {  	[tilespmem:s18], [sflag:$0x2] =	stream.linear.gather [hbm4b:s23+s5], $0x280, $0x38;
	[tilespmem:$0x1F700] =	vst v63  }
0x94: {  	_ =	swait.ge [sflag:s12], $0x280  }
0x95: {  	[sflag:s12] =	ssyncset.done $0x0  }
0x96: {  	s19 =	simm.s32 $0xA080;
	[sflag:s12] =	ssyncadd.s32 $0xFFFFFD80  }
0x97: {  	[tilespmem:s19], [sflag:$0x2] =	stream.linear.gather [hbm4b:s24+s5], $0x280, $0x38;
	[tilespmem:$0x1F700] =	vst v63  }
0x98: {  	_ =	swait.ge [sflag:s12], $0x280  }
0x99: {  	[sflag:s12] =	ssyncset.done $0x0  }
0x9a: {  	s18 =	simm.s32 $0xA300;
	[sflag:s12] =	ssyncadd.s32 $0xFFFFFD80  }
0x9b: {  	[tilespmem:s18], [sflag:$0x2] =	stream.linear.gather [hbm4b:s25+s5], $0x280, $0x38;
	[tilespmem:$0x1F700] =	vst v63  }
0x9c: {  	_ =	swait.ge [sflag:s12], $0x280  }
0x9d: {  	[sflag:s12] =	ssyncset.done $0x0  }
0x9e: {  	s19 =	simm.s32 $0xA580;
	[sflag:s12] =	ssyncadd.s32 $0xFFFFFD80  }
0x9f: {  	[tilespmem:s19], [sflag:$0x2] =	stream.linear.gather [hbm4b:s26+s5], $0x280, $0x38;
	[tilespmem:$0x1F700] =	vst v63  }
0xa0: {  	_ =	swait.ge [sflag:s12], $0x280  }
0xa1: {  	[sflag:s12] =	ssyncset.done $0x0  }
0xa2: {  	s18 =	simm.s32 $0xA800;
	[sflag:s12] =	ssyncadd.s32 $0xFFFFFD80  }
0xa3: {  	[tilespmem:s18], [sflag:$0x2] =	stream.linear.gather [hbm4b:s28+s5], $0x280, $0x38;
	[tilespmem:$0x1F700] =	vst v63  }
0xa4: {  	_ =	swait.ge [sflag:s12], $0x280  }
0xa5: {  	[sflag:s12] =	ssyncset.done $0x0  }
0xa6: {  	s19 =	simm.s32 $0xAA80;
	[sflag:s12] =	ssyncadd.s32 $0xFFFFFD80  }
0xa7: {  	[tilespmem:s19], [sflag:$0x2] =	stream.linear.gather [hbm4b:s29+s5], $0x280, $0x38;
	[tilespmem:$0x1F700] =	vst v63  }
0xa8: {  	_ =	swait.ge [sflag:s12], $0x280  }
0xa9: {  	[sflag:s12] =	ssyncset.done $0x0  }
0xaa: {  	s18 =	simm.s32 $0xAD00;
	[sflag:s12] =	ssyncadd.s32 $0xFFFFFD80  }
0xab: {  	[tilespmem:s18], [sflag:$0x2] =	stream.linear.gather [hbm4b:s30+s5], $0x280, $0x38;
	[tilespmem:$0x1F700] =	vst v63  }
0xac: {  	_ =	swait.ge [sflag:s12], $0x280  }
0xad: {  	[sflag:s12] =	ssyncset.done $0x0  }
0xae: {  	s19 =	simm.s32 $0xAF80;
	[sflag:s12] =	ssyncadd.s32 $0xFFFFFD80  }
0xaf: {  	[tilespmem:s19], [sflag:$0x2] =	stream.linear.gather [hbm4b:s31+s5], $0x280, $0x38;
	[tilespmem:$0x1F700] =	vst v63  }
0xb0: {  	_ =	swait.ge [sflag:s12], $0x280  }
0xb1: {  	[sflag:s12] =	ssyncset.done $0x0  }
0xb2: {  	s18 =	simm.s32 $0xB200;
	[sflag:s12] =	ssyncadd.s32 $0xFFFFFD80  }
0xb3: {  	[tilespmem:s18], [sflag:$0x2] =	stream.linear.gather [hbm4b:s2+s5], $0x280, $0x38;
	[tilespmem:$0x1F700] =	vst v63  }
0xb4: {  	_ =	swait.ge [sflag:s12], $0x280  }
0xb5: {  	[sflag:s12] =	ssyncset.done $0x0  }
0xb6: {  	s19 =	simm.s32 $0xB480;
	[sflag:s12] =	ssyncadd.s32 $0xFFFFFD80  }
0xb7: {  	[tilespmem:s19], [sflag:$0x2] =	stream.linear.gather [hbm4b:s0+s5], $0x280, $0x38;
	[tilespmem:$0x1F700] =	vst v63  }
0xb8: {  	_ =	swait.ge [sflag:s12], $0x280  }
0xb9: {  	[sflag:s12] =	ssyncset.done $0x0  }
0xba: {  	s17 =	simm.s32 $0xFFFFFD80;
	[sflag:s12] =	ssyncadd.s32 $0xFFFFFD80  }
0xbb: {  	s18 =	simm.s32 $0xFFFFF640;
	v2 =	vld [tilespmem:s17+$0x9400]  }
.LBB2_8:
0xbc: {  	p0 =	sne.s32 s18, $0xFFFFFFC0;
	v3 =	vld [tilespmem:s17+$0x9180];
	_ =	sdelay $0x1  }
0xbd: {  	v4 =	vld [tilespmem:s17+$0x9680];
	_ =	sdelay $0x1  }
0xbe: {  	v5 =	vld [tilespmem:s17+$0x9900]  }
0xbf: {  	v2 =	vadd.f32 v2, v3  }
0xc0: {  	v3 =	vld [tilespmem:s17+$0x9B80]  }
0xc1: {  	v2 =	vadd.f32 v4, v2  }
0xc2: {  	v4 =	vld [tilespmem:s17+$0x9E00]  }
0xc3: {  	v2 =	vadd.f32 v5, v2  }
0xc4: {  	v5 =	vld [tilespmem:s17+$0xA080]  }
0xc5: {  	v2 =	vadd.f32 v3, v2  }
0xc6: {  	v3 =	vld [tilespmem:s17+$0xA300]  }
0xc7: {  	v2 =	vadd.f32 v4, v2  }
0xc8: {  	v4 =	vld [tilespmem:s17+$0xA580]  }
0xc9: {  	v2 =	vadd.f32 v5, v2  }
0xca: {  	v5 =	vld [tilespmem:s17+$0xA800]  }
0xcb: {  	v2 =	vadd.f32 v3, v2  }
0xcc: {  	v3 =	vld [tilespmem:s17+$0xAA80]  }
0xcd: {  	v2 =	vadd.f32 v4, v2  }
0xce: {  	v4 =	vld [tilespmem:s17+$0xAD00]  }
0xcf: {  	v2 =	vadd.f32 v5, v2  }
0xd0: {  	v5 =	vld [tilespmem:s17+$0xAF80]  }
0xd1: {  	v2 =	vadd.f32 v3, v2  }
0xd2: {  	v3 =	vld [tilespmem:s17+$0xB200]  }
0xd3: {  	v2 =	vadd.f32 v4, v2  }
0xd4: {  	v4 =	vld [tilespmem:s17+$0xB480]  }
0xd5: {  	v2 =	vadd.f32 v5, v2  }
0xd6: {  	v5 =	vld [tilespmem:s17+$0xB700]  }
0xd7: {  	v2 =	vadd.f32 v3, v2;
	_ =	sdelay $0x1  }
.Ltmp3:
0xd8: {  	v2 =	vadd.f32 v4, v2;
	(pc) =	sbr.rel @p0 .LBB2_8-.Ltmp3, $4  }
0xd9: {  	_ = 	snop  }
0xda: {  	v3 =	vadd.f32 v5, v2  }
0xdb: {  	s19 =	sshra.s32 s18, $0x2  }
0xdc: {  	s18 =	sadd.s32 $0x40, s18;
	v2 =	vld [tilespmem:s19+$0x9400];
	[tilespmem:s17+$0x9180] =	vst v3;
	s17 =	smov.u32 s19  }
0xdd: {  	v3 =	vld [tilespmem:s17+$0x9180];
	_ =	sdelay $0x1  }
0xde: {  	v4 =	vld [tilespmem:s17+$0x9680];
	_ =	sdelay $0x1  }
0xdf: {  	v5 =	vld [tilespmem:s17+$0x9900]  }
0xe0: {  	v2 =	vadd.f32 v2, v3  }
0xe1: {  	v3 =	vld [tilespmem:s17+$0x9B80]  }
0xe2: {  	v2 =	vadd.f32 v4, v2  }
0xe3: {  	v56 =	vld [tilespmem:s17+$0x9E00]  }
0xe4: {  	v2 =	vadd.f32 v5, v2  }
0xe5: {  	v57 =	vld [tilespmem:s17+$0xA080]  }
0xe6: {  	v2 =	vadd.f32 v3, v2  }
0xe7: {  	v3 =	vld [tilespmem:s17+$0xA300]  }
0xe8: {  	v2 =	vadd.f32 v56, v2  }
0xe9: {  	v58 =	vld [tilespmem:s17+$0xA580]  }
0xea: {  	v2 =	vadd.f32 v57, v2  }
0xeb: {  	v59 =	vld [tilespmem:s17+$0xA800]  }
0xec: {  	v2 =	vadd.f32 v3, v2  }
0xed: {  	v3 =	vld [tilespmem:s17+$0xAA80]  }
0xee: {  	v2 =	vadd.f32 v58, v2  }
0xef: {  	v60 =	vld [tilespmem:s17+$0xAD00]  }
0xf0: {  	v2 =	vadd.f32 v59, v2  }
0xf1: {  	v61 =	vld [tilespmem:s17+$0xAF80]  }
0xf2: {  	v2 =	vadd.f32 v3, v2  }
0xf3: {  	v3 =	vld [tilespmem:s17+$0xB200]  }
0xf4: {  	v2 =	vadd.f32 v60, v2  }
0xf5: {  	v62 =	vld [tilespmem:s17+$0xB480]  }
0xf6: {  	v2 =	vadd.f32 v61, v2  }
0xf7: {  	v63 =	vld [tilespmem:s17+$0xB700]  }
0xf8: {  	v2 =	vadd.f32 v3, v2;
	_ =	sdelay $0x1  }
0xf9: {  	v2 =	vadd.f32 v62, v2;
	_ =	sdelay $0x1  }
0xfa: {  	v2 =	vadd.f32 v63, v2;
	_ =	sdelay $0x1  }
0xfb: {  	s19 =	rddreg [dreg:$0x8];
	[tilespmem:s17+$0x9180] =	vst v2  }
0xfc: {  	[hbm4b:s19+s5] =	stream.linear.scatter [tilespmem:s15], [sflag:$0x2], $0x280, $0x38;
	[tilespmem:$0x1F700] =	vst v63  }
0xfd: {  	s18 =	stileid.u32;
	_ =	swait.ge [sflag:s12], $0x280  }
0xfe: {  	s17 =	sshll.u32 s18, $0x6;
	s18 =	sshrl.u32 s6, $0x3;
	[sflag:s12] =	ssyncset.done $0x0  }
0xff: {  	s17 =	sor.u32 $0x1C02, s17;
	s19 =	rddreg [dreg:$0x9];
	[sflag:s12] =	ssyncadd.s32 $0xFFFFFD80  }
0x100: {  	[hbm:s19], [sflag:s17] =	dma.local [spmem:s18], $0x800  }
0x101: {  	_ =	swait.ge [sflag:s12], $0x800  }
0x102: {  	[sflag:s12] =	ssyncset.done $0x0  }
0x103: {  	s18 =	sshrl.u32 s4, $0x3;
	s19 =	rddreg [dreg:$0xb];
	[sflag:s12] =	ssyncadd.s32 $0xFFFFF800  }
0x104: {  	[hbm:s19], [sflag:s17] =	dma.local [spmem:s18], $0x800  }
0x105: {  	_ =	swait.ge [sflag:s12], $0x800  }
0x106: {  	[sflag:s12] =	ssyncset.done $0x0  }
0x107: {  	s18 =	sshrl.u32 s7, $0x3;
	s19 =	rddreg [dreg:$0xc];
	[sflag:s12] =	ssyncadd.s32 $0xFFFFF800  }
0x108: {  	[hbm:s19], [sflag:s17] =	dma.local [spmem:s18], $0x800  }
0x109: {  	_ =	swait.ge [sflag:s12], $0x800  }
0x10a: {  	[sflag:s12] =	ssyncset.done $0x0  }
0x10b: {  	s18 =	sshrl.u32 s9, $0x3;
	s19 =	rddreg [dreg:$0xd];
	[sflag:s12] =	ssyncadd.s32 $0xFFFFF800  }
0x10c: {  	[hbm:s19], [sflag:s17] =	dma.local [spmem:s18], $0x800  }
0x10d: {  	_ =	swait.ge [sflag:s12], $0x800  }
0x10e: {  	[sflag:s12] =	ssyncset.done $0x0  }
0x10f: {  	s18 =	sshrl.u32 s10, $0x3;
	s19 =	rddreg [dreg:$0xe];
	[sflag:s12] =	ssyncadd.s32 $0xFFFFF800  }
0x110: {  	[hbm:s19], [sflag:s17] =	dma.local [spmem:s18], $0x800  }
0x111: {  	_ =	swait.ge [sflag:s12], $0x800  }
0x112: {  	s16 =	sadd.s32 $0x1, s16;
	s19 =	rddreg [dreg:$0xa]  }
0x113: {  	p0 =	sne.s32 s16, s19  }
.Ltmp4:
0x114: {  	_ = 	snop;
	(pc) =	sbr.rel @p0 .LBB2_1-.Ltmp4, $3  }
0x115: {  	_ =	sdelay $0x1  }
0x116: {  	[sflag:s12] =	ssyncset.done $0x0  }
0x117: {  	[sflag:s12] =	ssyncadd.s32 $0xFFFFF800  }
0x118: {  	_ =	sfence.sel $0x180000  }
0x119: {  	[bflag:$0x0] =	sbarrier.arrive $0xFFFF  }
0x11a: {  	_ =	strace $0x90000047  }
0x11b: {  	s0 =	stileid.u32;
	[bflag:$0x2] =	sbarrier.arrive $0xFFFF  }
0x11c: {  	p0 =	sne.s32 s0, $0x0;
	s0 =	rddreg [dreg:$0x5]  }
0x11d: {  	s0 =	sadd.s32 @!p0 $0x100000, s0  }
0x11e: {  	[sflag:s0] =	ssyncadd.tile.s32 @!p0 $0x1;
	_ =	shalt  }
.Lfunc_end2:
_tile_overlayer_lowered:
.L_overlay_start_2:
0x11f: {  	(tag) =	ssettag $0x2  }
0x120: {  	s0 =	rddreg [dreg:$0x0];
	s2 =	stileid.u32  }
0x121: {  	s1 =	rddreg [dreg:$0x1];
	p0 =	sne.s32 s2, $0x0  }
0x122: {  	s3 =	rddreg [dreg:$0x2];
	[bflag:$0x3] =	sbarrier.arrive $0xFFFF;
	s2 =	simm.s32 @!p0 $0x1C02  }
0x123: {  	[timem:s3], [sflag:s2] =	dma.local @!p0 [hbm:s0], s1  }
0x124: {  	s0 =	simm.s32 @!p0 $0x2  }
0x125: {  	_ =	swait.ge @!p0 [sflag:s0], s1  }
0x126: {  	s1 =	ssub.s32 @!p0 $0x0, s1;
	[sflag:s0] =	ssyncset.done @!p0 $0x0  }
0x127: {  	[sflag:s0] =	ssyncadd.s32 @!p0 s1  }
0x128: {  	[bflag:$0x3] =	sbarrier.arrive $0xFFFF  }
0x129: {  	_ =	shalt  }

</sc_bundles>
